<compile_context>
chip_gen: v7x
topology: tpu7x:2x2x1
jax: 0.10.2.dev20260603
libtpu: 0.0.44.dev20260713+nightly
codegen_flags: <defaults>
</compile_context>

<pallas_src>
import functools

import jax
import jax.numpy as jnp
from jax import lax
from jax.experimental import pallas as pl
from jax.experimental.pallas import tpu as pltpu
from jax.experimental.pallas import tpu_sc as plsc

VOCAB = 1000000
EMBED_DIM = 64
HIDDEN_DIM = 256
OUTPUT_DIM = 1
BATCH = 4096
HIST = 200

NC = 2
NS = 16
LANES = 16
NW = NC * NS
B_PER_W = BATCH // NW
G0, G1 = 128, HIST - 128
NCOL = EMBED_DIM // LANES


def _start_gather(table_hbm, idx_v, rows, sem, off):
    pltpu.make_async_copy(
        table_hbm.at[idx_v.at[pl.ds(off, G0)]], rows.at[pl.ds(0, G0)], sem
    ).start()
    pltpu.make_async_copy(
        table_hbm.at[idx_v.at[pl.ds(off + G0, G1)]], rows.at[pl.ds(G0, G1)], sem
    ).start()


def _wait_gather(table_hbm, idx_v, rows, sem, off):
    pltpu.make_async_copy(
        table_hbm.at[idx_v.at[pl.ds(off, G0)]], rows.at[pl.ds(0, G0)], sem
    ).wait()
    pltpu.make_async_copy(
        table_hbm.at[idx_v.at[pl.ds(off + G0, G1)]], rows.at[pl.ds(G0, G1)], sem
    ).wait()


def _reduce_rows(rows, outb, b_local):
    zero = jnp.zeros((LANES,), jnp.float32)
    def body(i, accs):
        r = i * 4
        accs = list(accs)
        for j in range(4):
            for c in range(NCOL):
                k = c * 2 + (j & 1)
                accs[k] = accs[k] + rows[r + j, pl.ds(c * LANES, LANES)]
        return tuple(accs)

    accs = lax.fori_loop(0, HIST // 4, body, (zero,) * (2 * NCOL))
    for c in range(NCOL):
        outb[b_local, pl.ds(c * LANES, LANES)] = accs[c * 2] + accs[c * 2 + 1]


def _embed_bag(x_flat, table):
    mesh = plsc.VectorSubcoreMesh(core_axis_name="c", subcore_axis_name="s")

    @functools.partial(
        pl.kernel,
        mesh=mesh,
        compiler_params=pltpu.CompilerParams(use_tc_tiling_on_sc=False),
        out_type=jax.ShapeDtypeStruct((BATCH, EMBED_DIM), jnp.float32),
        scratch_types=[
            pltpu.VMEM((B_PER_W * HIST,), jnp.int32),
            pltpu.VMEM((HIST, EMBED_DIM), jnp.float32),
            pltpu.VMEM((HIST, EMBED_DIM), jnp.float32),
            pltpu.VMEM((HIST, EMBED_DIM), jnp.float32),
            pltpu.VMEM((B_PER_W, EMBED_DIM), jnp.float32),
            pltpu.SemaphoreType.DMA,
            pltpu.SemaphoreType.DMA,
            pltpu.SemaphoreType.DMA,
        ],
    )
    def k(x_hbm, table_hbm, out_hbm, idx_v, rows0, rows1, rows2, outb, s0, s1, s2):
        wid = lax.axis_index("s") * NC + lax.axis_index("c")
        base = wid * B_PER_W
        pltpu.sync_copy(x_hbm.at[pl.ds(base * HIST, B_PER_W * HIST)], idx_v)

        NBUF = 3
        bufs = (rows0, rows1, rows2)
        sems = (s0, s1, s2)
        for j in range(NBUF):
            _start_gather(table_hbm, idx_v, bufs[j], sems[j], j * HIST)

        def outer(g, _):
            for j in range(NBUF):
                b = g * NBUF + j
                off = b * HIST
                _wait_gather(table_hbm, idx_v, bufs[j], sems[j], off)
                _reduce_rows(bufs[j], outb, b)
                _start_gather(table_hbm, idx_v, bufs[j], sems[j], off + NBUF * HIST)
            return 0

        n_main = (B_PER_W - NBUF - 2) // NBUF
        lax.fori_loop(0, n_main, outer, 0)
        for b in range(n_main * NBUF, B_PER_W):
            j = b % NBUF
            _wait_gather(table_hbm, idx_v, bufs[j], sems[j], b * HIST)
            _reduce_rows(bufs[j], outb, b)
            nxt = b + NBUF
            if nxt < B_PER_W:
                _start_gather(table_hbm, idx_v, bufs[j], sems[j], nxt * HIST)

        pltpu.sync_copy(outb, out_hbm.at[pl.ds(base, B_PER_W)])

    return k(x_flat, table)


def _mlp_body(e_ref, w1_ref, b1_ref, w2_ref, b2_ref, w3_ref, b3_ref, out_ref):
    dn = (((1,), (1,)), ((), ()))
    e = e_ref[...]
    l1 = lax.dot_general(e, w1_ref[...], dn, preferred_element_type=jnp.float32)
    l1 = jnp.maximum(l1 + b1_ref[...], 0.0)
    l2 = lax.dot_general(l1, w2_ref[...], dn, preferred_element_type=jnp.float32)
    l2 = jnp.maximum(l2 + b2_ref[...], 0.0)
    out = lax.dot_general(l2, w3_ref[...], dn, preferred_element_type=jnp.float32)
    out_ref[...] = out + b3_ref[...]


def _mlp(e, W1, b1, W2, b2, W3, b3):
    W3p = jnp.zeros((128, HIDDEN_DIM), W3.dtype).at[:OUTPUT_DIM].set(W3)
    b3p = jnp.zeros((1, 128), b3.dtype).at[0, :OUTPUT_DIM].set(b3)
    out = pl.pallas_call(
        _mlp_body,
        out_shape=jax.ShapeDtypeStruct((BATCH, 128), jnp.float32),
    )(
        e,
        W1,
        b1.reshape(1, HIDDEN_DIM),
        W2,
        b2.reshape(1, HIDDEN_DIM),
        W3p,
        b3p,
    )
    return out[:, :OUTPUT_DIM]


def kernel(X, table, W1, b1, W2, b2, W3, b3):
    x_flat = X.reshape(-1).astype(jnp.int32)
    e = _embed_bag(x_flat, table)
    return _mlp(e, W1, b1, W2, b2, W3, b3)

# --- scband reference (transcript-rebuilt; emitter-appended) ---
"""Pipeline reference for scband-mlp-41016937676841 (READ-ONLY COPY).

The authoritative reference and input builder live on the scoring server;
editing this copy changes nothing except your own understanding.
"""

import jax, jax.numpy as jnp
import numpy as np

VOCAB = 1000000
EMBED_DIM = 64
HIDDEN_DIM = 256
OUTPUT_DIM = 1
BATCH = 4096
HIST = 200


def setup_inputs(seed: int = 0) -> dict:
    key = jax.random.key(seed)
    ks = jax.random.split(key, 8)
    table = jax.random.normal(ks[0], (VOCAB, EMBED_DIM), dtype=jnp.float32) * 0.02
    X = jax.random.randint(ks[1], (BATCH, HIST), 0, VOCAB, dtype=jnp.int64)
    W1 = jax.random.normal(ks[2], (HIDDEN_DIM, EMBED_DIM), dtype=jnp.float32) * (1.0 / np.sqrt(EMBED_DIM))
    b1 = jnp.zeros((HIDDEN_DIM,), dtype=jnp.float32)
    W2 = jax.random.normal(ks[3], (HIDDEN_DIM, HIDDEN_DIM), dtype=jnp.float32) * (1.0 / np.sqrt(HIDDEN_DIM))
    b2 = jnp.zeros((HIDDEN_DIM,), dtype=jnp.float32)
    W3 = jax.random.normal(ks[4], (OUTPUT_DIM, HIDDEN_DIM), dtype=jnp.float32) * (1.0 / np.sqrt(HIDDEN_DIM))
    b3 = jnp.zeros((OUTPUT_DIM,), dtype=jnp.float32)
    return {"X": X, "table": table, "W1": W1, "b1": b1, "W2": W2, "b2": b2, "W3": W3, "b3": b3}


def reference(X, table, W1, b1, W2, b2, W3, b3):
    # embedded = self.embedding(X).sum(axis=1)
    embedded = jnp.take(table, X, axis=0).sum(axis=1)  # [B, EMBED_DIM]
    # l1 = F.relu(self.hidden(embedded))
    l1 = jax.nn.relu(embedded @ W1.T + b1)
    # l2 = F.relu(self.hidden2(l1))
    l2 = jax.nn.relu(l1 @ W2.T + b2)
    # out = self.out(l2)
    out = l2 @ W3.T + b3
    return out

if __name__ == "__main__":
    import jax
    _d = setup_inputs()
    print(jax.jit(kernel)(*tuple(_d.values())))

</pallas_src>

<mosaic_0001>
#map = affine_map<(d0, d1) -> (0)>
#map1 = affine_map<(d0, d1) -> (0, 0)>
module attributes {stable_mosaic.version = 14 : i64} {
  func.func @k(%arg0: i32, %arg1: i32, %arg2: memref<819200xi32, #tpu.memory_space<hbm>>, %arg3: memref<1000000x64xf32, #tpu.memory_space<hbm>>, %arg4: memref<4096x64xf32, #tpu.memory_space<hbm>>, %arg5: memref<25600xi32, #tpu.memory_space<vmem>>, %arg6: memref<200x64xf32, #tpu.memory_space<vmem>>, %arg7: memref<200x64xf32, #tpu.memory_space<vmem>>, %arg8: memref<200x64xf32, #tpu.memory_space<vmem>>, %arg9: memref<128x64xf32, #tpu.memory_space<vmem>>, %arg10: memref<!tpu.dma_semaphore, #tpu.memory_space<semaphore_mem>>, %arg11: memref<!tpu.dma_semaphore, #tpu.memory_space<semaphore_mem>>, %arg12: memref<!tpu.dma_semaphore, #tpu.memory_space<semaphore_mem>>) attributes {dimension_semantics = [#tpu.dimension_semantics<core_parallel>, #tpu.dimension_semantics<subcore_parallel>], iteration_bounds = array<i64: 2, 16>, scalar_prefetch = 0 : i64, scratch_operands = 8 : i64, tpu.core_type = #tpu.core_type<sc_vector_subcore>, window_params = [{transform_indices = #map}, {transform_indices = #map1}, {transform_indices = #map1}]} {
    %mul3A = arith.constant 2 : i32
    %mul3A_0 = arith.muli %arg1, %mul3A : i32
    %add3A = arith.addi %mul3A_0, %arg0 : i32
    %mul3A_1 = arith.constant 128 : i32
    %mul3A_2 = arith.muli %add3A, %mul3A_1 : i32
    %mul3A_3 = arith.constant 200 : i32
    %mul3A_4 = arith.muli %mul3A_2, %mul3A_3 : i32
    "tpu.region"() ({
      %run_scoped3A = tpu.sem_alloc : memref<!tpu.dma_semaphore, #tpu.memory_space<semaphore_mem>>
      %dma_start3A_347 = tpu.memref_slice %arg2[%mul3A_4] : memref<819200xi32, #tpu.memory_space<hbm>> -> memref<25600xi32, #tpu.memory_space<hbm>>
      %dma_start3A_348 = tpu.memref_slice %arg2[%mul3A_4] : memref<819200xi32, #tpu.memory_space<hbm>> -> memref<25600xi32, #tpu.memory_space<hbm>>
      tpu.enqueue_dma source(%dma_start3A_348 : memref<25600xi32, #tpu.memory_space<hbm>>) target(%arg5 : memref<25600xi32, #tpu.memory_space<vmem>>) target_semaphore(%run_scoped3A : memref<!tpu.dma_semaphore, #tpu.memory_space<semaphore_mem>>)
      %dma_wait3A_349 = tpu.memref_slice %arg2[%mul3A_4] : memref<819200xi32, #tpu.memory_space<hbm>> -> memref<25600xi32, #tpu.memory_space<hbm>>
      %dma_wait3A_350 = tpu.memref_slice %arg2[%mul3A_4] : memref<819200xi32, #tpu.memory_space<hbm>> -> memref<25600xi32, #tpu.memory_space<hbm>>
      tpu.wait_dma2 semaphore(%run_scoped3A : memref<!tpu.dma_semaphore, #tpu.memory_space<semaphore_mem>>) src(%dma_wait3A_350 : memref<25600xi32, #tpu.memory_space<hbm>>) dst(%arg5 : memref<25600xi32, #tpu.memory_space<vmem>>)
      tpu.yield
    }) : () -> ()
    %dma_start3A = arith.constant 0 : i32
    %dma_start3A_5 = arith.constant 0 : i32
    %dma_start3A_6 = tpu.memref_slice %arg6[%dma_start3A, %dma_start3A_5] : memref<200x64xf32, #tpu.memory_space<vmem>> -> memref<128x64xf32, #tpu.memory_space<vmem>>
    %dma_start3A_7 = arith.constant 0 : i32
    %dma_start3A_8 = tpu.memref_slice %arg5[%dma_start3A_7] : memref<25600xi32, #tpu.memory_space<vmem>> -> memref<128xi32, #tpu.memory_space<vmem>>
    %dma_start3A_9 = arith.constant 0 : i32
    %dma_start3A_10 = arith.constant 0 : i32
    %dma_start3A_11 = tpu.memref_slice %arg3[%dma_start3A_9, %dma_start3A_10] : memref<1000000x64xf32, #tpu.memory_space<hbm>> -> memref<1000000x64xf32, #tpu.memory_space<hbm>>
    tpu.enqueue_indirect_dma source(%dma_start3A_11 : memref<1000000x64xf32, #tpu.memory_space<hbm>>) target(%dma_start3A_6 : memref<128x64xf32, #tpu.memory_space<vmem>>) offsets(%dma_start3A_8 : memref<128xi32, #tpu.memory_space<vmem>>) semaphore(%arg10 : memref<!tpu.dma_semaphore, #tpu.memory_space<semaphore_mem>>)
    %dma_start3A_12 = arith.constant 128 : i32
    %dma_start3A_13 = arith.constant 0 : i32
    %dma_start3A_14 = tpu.memref_slice %arg6[%dma_start3A_12, %dma_start3A_13] : memref<200x64xf32, #tpu.memory_space<vmem>> -> memref<72x64xf32, #tpu.memory_space<vmem>>
    %dma_start3A_15 = arith.constant 128 : i32
    %dma_start3A_16 = tpu.memref_slice %arg5[%dma_start3A_15] : memref<25600xi32, #tpu.memory_space<vmem>> -> memref<72xi32, #tpu.memory_space<vmem>>
    %dma_start3A_17 = arith.constant 0 : i32
    %dma_start3A_18 = arith.constant 0 : i32
    %dma_start3A_19 = tpu.memref_slice %arg3[%dma_start3A_17, %dma_start3A_18] : memref<1000000x64xf32, #tpu.memory_space<hbm>> -> memref<1000000x64xf32, #tpu.memory_space<hbm>>
    tpu.enqueue_indirect_dma source(%dma_start3A_19 : memref<1000000x64xf32, #tpu.memory_space<hbm>>) target(%dma_start3A_14 : memref<72x64xf32, #tpu.memory_space<vmem>>) offsets(%dma_start3A_16 : memref<72xi32, #tpu.memory_space<vmem>>) semaphore(%arg10 : memref<!tpu.dma_semaphore, #tpu.memory_space<semaphore_mem>>)
    %dma_start3A_20 = arith.constant 0 : i32
    %dma_start3A_21 = arith.constant 0 : i32
    %dma_start3A_22 = tpu.memref_slice %arg7[%dma_start3A_20, %dma_start3A_21] : memref<200x64xf32, #tpu.memory_space<vmem>> -> memref<128x64xf32, #tpu.memory_space<vmem>>
    %dma_start3A_23 = arith.constant 200 : i32
    %dma_start3A_24 = tpu.memref_slice %arg5[%dma_start3A_23] : memref<25600xi32, #tpu.memory_space<vmem>> -> memref<128xi32, #tpu.memory_space<vmem>>
    %dma_start3A_25 = arith.constant 0 : i32
    %dma_start3A_26 = arith.constant 0 : i32
    %dma_start3A_27 = tpu.memref_slice %arg3[%dma_start3A_25, %dma_start3A_26] : memref<1000000x64xf32, #tpu.memory_space<hbm>> -> memref<1000000x64xf32, #tpu.memory_space<hbm>>
    tpu.enqueue_indirect_dma source(%dma_start3A_27 : memref<1000000x64xf32, #tpu.memory_space<hbm>>) target(%dma_start3A_22 : memref<128x64xf32, #tpu.memory_space<vmem>>) offsets(%dma_start3A_24 : memref<128xi32, #tpu.memory_space<vmem>>) semaphore(%arg11 : memref<!tpu.dma_semaphore, #tpu.memory_space<semaphore_mem>>)
    %dma_start3A_28 = arith.constant 128 : i32
    %dma_start3A_29 = arith.constant 0 : i32
    %dma_start3A_30 = tpu.memref_slice %arg7[%dma_start3A_28, %dma_start3A_29] : memref<200x64xf32, #tpu.memory_space<vmem>> -> memref<72x64xf32, #tpu.memory_space<vmem>>
    %dma_start3A_31 = arith.constant 328 : i32
    %dma_start3A_32 = tpu.memref_slice %arg5[%dma_start3A_31] : memref<25600xi32, #tpu.memory_space<vmem>> -> memref<72xi32, #tpu.memory_space<vmem>>
    %dma_start3A_33 = arith.constant 0 : i32
    %dma_start3A_34 = arith.constant 0 : i32
    %dma_start3A_35 = tpu.memref_slice %arg3[%dma_start3A_33, %dma_start3A_34] : memref<1000000x64xf32, #tpu.memory_space<hbm>> -> memref<1000000x64xf32, #tpu.memory_space<hbm>>
    tpu.enqueue_indirect_dma source(%dma_start3A_35 : memref<1000000x64xf32, #tpu.memory_space<hbm>>) target(%dma_start3A_30 : memref<72x64xf32, #tpu.memory_space<vmem>>) offsets(%dma_start3A_32 : memref<72xi32, #tpu.memory_space<vmem>>) semaphore(%arg11 : memref<!tpu.dma_semaphore, #tpu.memory_space<semaphore_mem>>)
    %dma_start3A_36 = arith.constant 0 : i32
    %dma_start3A_37 = arith.constant 0 : i32
    %dma_start3A_38 = tpu.memref_slice %arg8[%dma_start3A_36, %dma_start3A_37] : memref<200x64xf32, #tpu.memory_space<vmem>> -> memref<128x64xf32, #tpu.memory_space<vmem>>
    %dma_start3A_39 = arith.constant 400 : i32
    %dma_start3A_40 = tpu.memref_slice %arg5[%dma_start3A_39] : memref<25600xi32, #tpu.memory_space<vmem>> -> memref<128xi32, #tpu.memory_space<vmem>>
    %dma_start3A_41 = arith.constant 0 : i32
    %dma_start3A_42 = arith.constant 0 : i32
    %dma_start3A_43 = tpu.memref_slice %arg3[%dma_start3A_41, %dma_start3A_42] : memref<1000000x64xf32, #tpu.memory_space<hbm>> -> memref<1000000x64xf32, #tpu.memory_space<hbm>>
    tpu.enqueue_indirect_dma source(%dma_start3A_43 : memref<1000000x64xf32, #tpu.memory_space<hbm>>) target(%dma_start3A_38 : memref<128x64xf32, #tpu.memory_space<vmem>>) offsets(%dma_start3A_40 : memref<128xi32, #tpu.memory_space<vmem>>) semaphore(%arg12 : memref<!tpu.dma_semaphore, #tpu.memory_space<semaphore_mem>>)
    %dma_start3A_44 = arith.constant 128 : i32
    %dma_start3A_45 = arith.constant 0 : i32
    %dma_start3A_46 = tpu.memref_slice %arg8[%dma_start3A_44, %dma_start3A_45] : memref<200x64xf32, #tpu.memory_space<vmem>> -> memref<72x64xf32, #tpu.memory_space<vmem>>
    %dma_start3A_47 = arith.constant 528 : i32
    %dma_start3A_48 = tpu.memref_slice %arg5[%dma_start3A_47] : memref<25600xi32, #tpu.memory_space<vmem>> -> memref<72xi32, #tpu.memory_space<vmem>>
    %dma_start3A_49 = arith.constant 0 : i32
    %dma_start3A_50 = arith.constant 0 : i32
    %dma_start3A_51 = tpu.memref_slice %arg3[%dma_start3A_49, %dma_start3A_50] : memref<1000000x64xf32, #tpu.memory_space<hbm>> -> memref<1000000x64xf32, #tpu.memory_space<hbm>>
    tpu.enqueue_indirect_dma source(%dma_start3A_51 : memref<1000000x64xf32, #tpu.memory_space<hbm>>) target(%dma_start3A_46 : memref<72x64xf32, #tpu.memory_space<vmem>>) offsets(%dma_start3A_48 : memref<72xi32, #tpu.memory_space<vmem>>) semaphore(%arg12 : memref<!tpu.dma_semaphore, #tpu.memory_space<semaphore_mem>>)
    %scan3A = arith.constant 0 : i32
    %scan3A_52 = arith.constant 0 : i32
    %scan3A_53 = arith.constant 41 : i32
    %scan3A_54 = arith.addi %scan3A_52, %scan3A_53 : i32
    %scan3A_55 = arith.constant 1 : i32
    %scan3A_56 = scf.for %scan3A_347 = %scan3A_52 to %scan3A_54 step %scan3A_55 iter_args(%scan3A_348 = %scan3A) -> (i32)  : i32 {
      %mul3A_349 = arith.constant 3 : i32
      %mul3A_350 = arith.muli %scan3A_347, %mul3A_349 : i32
      %add3A_351 = arith.constant 0 : i32
      %add3A_352 = arith.addi %mul3A_350, %add3A_351 : i32
      %mul3A_353 = arith.constant 200 : i32
      %mul3A_354 = arith.muli %add3A_352, %mul3A_353 : i32
      %dma_wait3A_355 = arith.constant 0 : i32
      %dma_wait3A_356 = arith.constant 0 : i32
      %dma_wait3A_357 = tpu.memref_slice %arg6[%dma_wait3A_355, %dma_wait3A_356] : memref<200x64xf32, #tpu.memory_space<vmem>> -> memref<128x64xf32, #tpu.memory_space<vmem>>
      %dma_wait3A_358 = tpu.memref_slice %arg5[%mul3A_354] : memref<25600xi32, #tpu.memory_space<vmem>> -> memref<128xi32, #tpu.memory_space<vmem>>
      %dma_wait3A_359 = arith.constant 0 : i32
      %dma_wait3A_360 = arith.constant 0 : i32
      %dma_wait3A_361 = tpu.memref_slice %arg3[%dma_wait3A_359, %dma_wait3A_360] : memref<1000000x64xf32, #tpu.memory_space<hbm>> -> memref<1000000x64xf32, #tpu.memory_space<hbm>>
      tpu.wait_indirect_dma semaphore(%arg10 : memref<!tpu.dma_semaphore, #tpu.memory_space<semaphore_mem>>) src(%dma_wait3A_361 : memref<1000000x64xf32, #tpu.memory_space<hbm>>) dst(%dma_wait3A_357 : memref<128x64xf32, #tpu.memory_space<vmem>>)
      %add3A_362 = arith.constant 128 : i32
      %add3A_363 = arith.addi %mul3A_354, %add3A_362 : i32
      %dma_wait3A_364 = arith.constant 128 : i32
      %dma_wait3A_365 = arith.constant 0 : i32
      %dma_wait3A_366 = tpu.memref_slice %arg6[%dma_wait3A_364, %dma_wait3A_365] : memref<200x64xf32, #tpu.memory_space<vmem>> -> memref<72x64xf32, #tpu.memory_space<vmem>>
      %dma_wait3A_367 = tpu.memref_slice %arg5[%add3A_363] : memref<25600xi32, #tpu.memory_space<vmem>> -> memref<72xi32, #tpu.memory_space<vmem>>
      %dma_wait3A_368 = arith.constant 0 : i32
      %dma_wait3A_369 = arith.constant 0 : i32
      %dma_wait3A_370 = tpu.memref_slice %arg3[%dma_wait3A_368, %dma_wait3A_369] : memref<1000000x64xf32, #tpu.memory_space<hbm>> -> memref<1000000x64xf32, #tpu.memory_space<hbm>>
      tpu.wait_indirect_dma semaphore(%arg10 : memref<!tpu.dma_semaphore, #tpu.memory_space<semaphore_mem>>) src(%dma_wait3A_370 : memref<1000000x64xf32, #tpu.memory_space<hbm>>) dst(%dma_wait3A_366 : memref<72x64xf32, #tpu.memory_space<vmem>>)
      %broadcast_in_dim3A_371 = arith.constant 0.000000e+00 : f32
      %broadcast_in_dim3A_372 = vector.broadcast %broadcast_in_dim3A_371 : f32 to vector<16xf32>
      %scan3A_373 = arith.constant 0 : i32
      %scan3A_374 = arith.constant 50 : i32
      %scan3A_375 = arith.addi %scan3A_373, %scan3A_374 : i32
      %scan3A_376 = arith.constant 1 : i32
      %scan3A_377:8 = scf.for %scan3A_566 = %scan3A_373 to %scan3A_375 step %scan3A_376 iter_args(%scan3A_567 = %broadcast_in_dim3A_372, %scan3A_568 = %broadcast_in_dim3A_372, %scan3A_569 = %broadcast_in_dim3A_372, %scan3A_570 = %broadcast_in_dim3A_372, %scan3A_571 = %broadcast_in_dim3A_372, %scan3A_572 = %broadcast_in_dim3A_372, %scan3A_573 = %broadcast_in_dim3A_372, %scan3A_574 = %broadcast_in_dim3A_372) -> (vector<16xf32>, vector<16xf32>, vector<16xf32>, vector<16xf32>, vector<16xf32>, vector<16xf32>, vector<16xf32>, vector<16xf32>)  : i32 {
        %mul3A_575 = arith.constant 4 : i32
        %mul3A_576 = arith.muli %scan3A_566, %mul3A_575 : i32
        %add3A_577 = arith.constant 0 : i32
        %add3A_578 = arith.addi %mul3A_576, %add3A_577 : i32
        %get3A = arith.index_cast %add3A_578 : i32 to index
        %get3A_579 = arith.constant 0 : index
        %get3A_580 = tpu.vector_load %arg6[%get3A, %get3A_579] {strides = array<i32>} : memref<200x64xf32, #tpu.memory_space<vmem>>, vector<1x16xf32>,
        %get3A_581 = vector.shape_cast %get3A_580 : vector<1x16xf32> to vector<16xf32>
        %add3A_582 = arith.addf %scan3A_567, %get3A_581 : vector<16xf32>
        %add3A_583 = arith.constant 0 : i32
        %add3A_584 = arith.addi %mul3A_576, %add3A_583 : i32
        %get3A_585 = arith.index_cast %add3A_584 : i32 to index
        %get3A_586 = arith.constant 16 : index
        %get3A_587 = tpu.vector_load %arg6[%get3A_585, %get3A_586] {strides = array<i32>} : memref<200x64xf32, #tpu.memory_space<vmem>>, vector<1x16xf32>,
        %get3A_588 = vector.shape_cast %get3A_587 : vector<1x16xf32> to vector<16xf32>
        %add3A_589 = arith.addf %scan3A_569, %get3A_588 : vector<16xf32>
        %add3A_590 = arith.constant 0 : i32
        %add3A_591 = arith.addi %mul3A_576, %add3A_590 : i32
        %get3A_592 = arith.index_cast %add3A_591 : i32 to index
        %get3A_593 = arith.constant 32 : index
        %get3A_594 = tpu.vector_load %arg6[%get3A_592, %get3A_593] {strides = array<i32>} : memref<200x64xf32, #tpu.memory_space<vmem>>, vector<1x16xf32>,
        %get3A_595 = vector.shape_cast %get3A_594 : vector<1x16xf32> to vector<16xf32>
        %add3A_596 = arith.addf %scan3A_571, %get3A_595 : vector<16xf32>
        %add3A_597 = arith.constant 0 : i32
        %add3A_598 = arith.addi %mul3A_576, %add3A_597 : i32
        %get3A_599 = arith.index_cast %add3A_598 : i32 to index
        %get3A_600 = arith.constant 48 : index
        %get3A_601 = tpu.vector_load %arg6[%get3A_599, %get3A_600] {strides = array<i32>} : memref<200x64xf32, #tpu.memory_space<vmem>>, vector<1x16xf32>,
        %get3A_602 = vector.shape_cast %get3A_601 : vector<1x16xf32> to vector<16xf32>
        %add3A_603 = arith.addf %scan3A_573, %get3A_602 : vector<16xf32>
        %add3A_604 = arith.constant 1 : i32
        %add3A_605 = arith.addi %mul3A_576, %add3A_604 : i32
        %get3A_606 = arith.index_cast %add3A_605 : i32 to index
        %get3A_607 = arith.constant 0 : index
        %get3A_608 = tpu.vector_load %arg6[%get3A_606, %get3A_607] {strides = array<i32>} : memref<200x64xf32, #tpu.memory_space<vmem>>, vector<1x16xf32>,
        %get3A_609 = vector.shape_cast %get3A_608 : vector<1x16xf32> to vector<16xf32>
        %add3A_610 = arith.addf %scan3A_568, %get3A_609 : vector<16xf32>
        %add3A_611 = arith.constant 1 : i32
        %add3A_612 = arith.addi %mul3A_576, %add3A_611 : i32
        %get3A_613 = arith.index_cast %add3A_612 : i32 to index
        %get3A_614 = arith.constant 16 : index
        %get3A_615 = tpu.vector_load %arg6[%get3A_613, %get3A_614] {strides = array<i32>} : memref<200x64xf32, #tpu.memory_space<vmem>>, vector<1x16xf32>,
        %get3A_616 = vector.shape_cast %get3A_615 : vector<1x16xf32> to vector<16xf32>
        %add3A_617 = arith.addf %scan3A_570, %get3A_616 : vector<16xf32>
        %add3A_618 = arith.constant 1 : i32
        %add3A_619 = arith.addi %mul3A_576, %add3A_618 : i32
        %get3A_620 = arith.index_cast %add3A_619 : i32 to index
        %get3A_621 = arith.constant 32 : index
        %get3A_622 = tpu.vector_load %arg6[%get3A_620, %get3A_621] {strides = array<i32>} : memref<200x64xf32, #tpu.memory_space<vmem>>, vector<1x16xf32>,
        %get3A_623 = vector.shape_cast %get3A_622 : vector<1x16xf32> to vector<16xf32>
        %add3A_624 = arith.addf %scan3A_572, %get3A_623 : vector<16xf32>
        %add3A_625 = arith.constant 1 : i32
        %add3A_626 = arith.addi %mul3A_576, %add3A_625 : i32
        %get3A_627 = arith.index_cast %add3A_626 : i32 to index
        %get3A_628 = arith.constant 48 : index
        %get3A_629 = tpu.vector_load %arg6[%get3A_627, %get3A_628] {strides = array<i32>} : memref<200x64xf32, #tpu.memory_space<vmem>>, vector<1x16xf32>,
        %get3A_630 = vector.shape_cast %get3A_629 : vector<1x16xf32> to vector<16xf32>
        %add3A_631 = arith.addf %scan3A_574, %get3A_630 : vector<16xf32>
        %add3A_632 = arith.constant 2 : i32
        %add3A_633 = arith.addi %mul3A_576, %add3A_632 : i32
        %get3A_634 = arith.index_cast %add3A_633 : i32 to index
        %get3A_635 = arith.constant 0 : index
        %get3A_636 = tpu.vector_load %arg6[%get3A_634, %get3A_635] {strides = array<i32>} : memref<200x64xf32, #tpu.memory_space<vmem>>, vector<1x16xf32>,
        %get3A_637 = vector.shape_cast %get3A_636 : vector<1x16xf32> to vector<16xf32>
        %add3A_638 = arith.addf %add3A_582, %get3A_637 : vector<16xf32>
        %add3A_639 = arith.constant 2 : i32
        %add3A_640 = arith.addi %mul3A_576, %add3A_639 : i32
        %get3A_641 = arith.index_cast %add3A_640 : i32 to index
        %get3A_642 = arith.constant 16 : index
        %get3A_643 = tpu.vector_load %arg6[%get3A_641, %get3A_642] {strides = array<i32>} : memref<200x64xf32, #tpu.memory_space<vmem>>, vector<1x16xf32>,
        %get3A_644 = vector.shape_cast %get3A_643 : vector<1x16xf32> to vector<16xf32>
        %add3A_645 = arith.addf %add3A_589, %get3A_644 : vector<16xf32>
        %add3A_646 = arith.constant 2 : i32
        %add3A_647 = arith.addi %mul3A_576, %add3A_646 : i32
        %get3A_648 = arith.index_cast %add3A_647 : i32 to index
        %get3A_649 = arith.constant 32 : index
        %get3A_650 = tpu.vector_load %arg6[%get3A_648, %get3A_649] {strides = array<i32>} : memref<200x64xf32, #tpu.memory_space<vmem>>, vector<1x16xf32>,
        %get3A_651 = vector.shape_cast %get3A_650 : vector<1x16xf32> to vector<16xf32>
        %add3A_652 = arith.addf %add3A_596, %get3A_651 : vector<16xf32>
        %add3A_653 = arith.constant 2 : i32
        %add3A_654 = arith.addi %mul3A_576, %add3A_653 : i32
        %get3A_655 = arith.index_cast %add3A_654 : i32 to index
        %get3A_656 = arith.constant 48 : index
        %get3A_657 = tpu.vector_load %arg6[%get3A_655, %get3A_656] {strides = array<i32>} : memref<200x64xf32, #tpu.memory_space<vmem>>, vector<1x16xf32>,
        %get3A_658 = vector.shape_cast %get3A_657 : vector<1x16xf32> to vector<16xf32>
        %add3A_659 = arith.addf %add3A_603, %get3A_658 : vector<16xf32>
        %add3A_660 = arith.constant 3 : i32
        %add3A_661 = arith.addi %mul3A_576, %add3A_660 : i32
        %get3A_662 = arith.index_cast %add3A_661 : i32 to index
        %get3A_663 = arith.constant 0 : index
        %get3A_664 = tpu.vector_load %arg6[%get3A_662, %get3A_663] {strides = array<i32>} : memref<200x64xf32, #tpu.memory_space<vmem>>, vector<1x16xf32>,
        %get3A_665 = vector.shape_cast %get3A_664 : vector<1x16xf32> to vector<16xf32>
        %add3A_666 = arith.addf %add3A_610, %get3A_665 : vector<16xf32>
        %add3A_667 = arith.constant 3 : i32
        %add3A_668 = arith.addi %mul3A_576, %add3A_667 : i32
        %get3A_669 = arith.index_cast %add3A_668 : i32 to index
        %get3A_670 = arith.constant 16 : index
        %get3A_671 = tpu.vector_load %arg6[%get3A_669, %get3A_670] {strides = array<i32>} : memref<200x64xf32, #tpu.memory_space<vmem>>, vector<1x16xf32>,
        %get3A_672 = vector.shape_cast %get3A_671 : vector<1x16xf32> to vector<16xf32>
        %add3A_673 = arith.addf %add3A_617, %get3A_672 : vector<16xf32>
        %add3A_674 = arith.constant 3 : i32
        %add3A_675 = arith.addi %mul3A_576, %add3A_674 : i32
        %get3A_676 = arith.index_cast %add3A_675 : i32 to index
        %get3A_677 = arith.constant 32 : index
        %get3A_678 = tpu.vector_load %arg6[%get3A_676, %get3A_677] {strides = array<i32>} : memref<200x64xf32, #tpu.memory_space<vmem>>, vector<1x16xf32>,
        %get3A_679 = vector.shape_cast %get3A_678 : vector<1x16xf32> to vector<16xf32>
        %add3A_680 = arith.addf %add3A_624, %get3A_679 : vector<16xf32>
        %add3A_681 = arith.constant 3 : i32
        %add3A_682 = arith.addi %mul3A_576, %add3A_681 : i32
        %get3A_683 = arith.index_cast %add3A_682 : i32 to index
        %get3A_684 = arith.constant 48 : index
        %get3A_685 = tpu.vector_load %arg6[%get3A_683, %get3A_684] {strides = array<i32>} : memref<200x64xf32, #tpu.memory_space<vmem>>, vector<1x16xf32>,
        %get3A_686 = vector.shape_cast %get3A_685 : vector<1x16xf32> to vector<16xf32>
        %add3A_687 = arith.addf %add3A_631, %get3A_686 : vector<16xf32>
        scf.yield %add3A_638, %add3A_666, %add3A_645, %add3A_673, %add3A_652, %add3A_680, %add3A_659, %add3A_687 : vector<16xf32>, vector<16xf32>, vector<16xf32>, vector<16xf32>, vector<16xf32>, vector<16xf32>, vector<16xf32>, vector<16xf32>
      }
      %scan3A_378 = arith.constant 50 : i32
      %add3A_379 = arith.addf %scan3A_377#0, %scan3A_377#1 : vector<16xf32>
      %swap3A_380 = arith.index_cast %add3A_352 : i32 to index
      %swap3A_381 = arith.constant 0 : index
      %swap3A_382 = tpu.vector_load %arg9[%swap3A_380, %swap3A_381] {strides = array<i32>} : memref<128x64xf32, #tpu.memory_space<vmem>>, vector<1x16xf32>,
      %swap3A_383 = vector.shape_cast %swap3A_382 : vector<1x16xf32> to vector<16xf32>
      %swap3A_384 = vector.shape_cast %add3A_379 : vector<16xf32> to vector<1x16xf32>
      tpu.vector_store %arg9[%swap3A_380, %swap3A_381], %swap3A_384 {strides = array<i32>} : memref<128x64xf32, #tpu.memory_space<vmem>>, vector<1x16xf32>,
      %add3A_385 = arith.addf %scan3A_377#2, %scan3A_377#3 : vector<16xf32>
      %swap3A_386 = arith.index_cast %add3A_352 : i32 to index
      %swap3A_387 = arith.constant 16 : index
      %swap3A_388 = tpu.vector_load %arg9[%swap3A_386, %swap3A_387] {strides = array<i32>} : memref<128x64xf32, #tpu.memory_space<vmem>>, vector<1x16xf32>,
      %swap3A_389 = vector.shape_cast %swap3A_388 : vector<1x16xf32> to vector<16xf32>
      %swap3A_390 = vector.shape_cast %add3A_385 : vector<16xf32> to vector<1x16xf32>
      tpu.vector_store %arg9[%swap3A_386, %swap3A_387], %swap3A_390 {strides = array<i32>} : memref<128x64xf32, #tpu.memory_space<vmem>>, vector<1x16xf32>,
      %add3A_391 = arith.addf %scan3A_377#4, %scan3A_377#5 : vector<16xf32>
      %swap3A_392 = arith.index_cast %add3A_352 : i32 to index
      %swap3A_393 = arith.constant 32 : index
      %swap3A_394 = tpu.vector_load %arg9[%swap3A_392, %swap3A_393] {strides = array<i32>} : memref<128x64xf32, #tpu.memory_space<vmem>>, vector<1x16xf32>,
      %swap3A_395 = vector.shape_cast %swap3A_394 : vector<1x16xf32> to vector<16xf32>
      %swap3A_396 = vector.shape_cast %add3A_391 : vector<16xf32> to vector<1x16xf32>
      tpu.vector_store %arg9[%swap3A_392, %swap3A_393], %swap3A_396 {strides = array<i32>} : memref<128x64xf32, #tpu.memory_space<vmem>>, vector<1x16xf32>,
      %add3A_397 = arith.addf %scan3A_377#6, %scan3A_377#7 : vector<16xf32>
      %swap3A_398 = arith.index_cast %add3A_352 : i32 to index
      %swap3A_399 = arith.constant 48 : index
      %swap3A_400 = tpu.vector_load %arg9[%swap3A_398, %swap3A_399] {strides = array<i32>} : memref<128x64xf32, #tpu.memory_space<vmem>>, vector<1x16xf32>,
      %swap3A_401 = vector.shape_cast %swap3A_400 : vector<1x16xf32> to vector<16xf32>
      %swap3A_402 = vector.shape_cast %add3A_397 : vector<16xf32> to vector<1x16xf32>
      tpu.vector_store %arg9[%swap3A_398, %swap3A_399], %swap3A_402 {strides = array<i32>} : memref<128x64xf32, #tpu.memory_space<vmem>>, vector<1x16xf32>,
      %add3A_403 = arith.constant 600 : i32
      %add3A_404 = arith.addi %mul3A_354, %add3A_403 : i32
      %dma_start3A_405 = arith.constant 0 : i32
      %dma_start3A_406 = arith.constant 0 : i32
      %dma_start3A_407 = tpu.memref_slice %arg6[%dma_start3A_405, %dma_start3A_406] : memref<200x64xf32, #tpu.memory_space<vmem>> -> memref<128x64xf32, #tpu.memory_space<vmem>>
      %dma_start3A_408 = tpu.memref_slice %arg5[%add3A_404] : memref<25600xi32, #tpu.memory_space<vmem>> -> memref<128xi32, #tpu.memory_space<vmem>>
      %dma_start3A_409 = arith.constant 0 : i32
      %dma_start3A_410 = arith.constant 0 : i32
      %dma_start3A_411 = tpu.memref_slice %arg3[%dma_start3A_409, %dma_start3A_410] : memref<1000000x64xf32, #tpu.memory_space<hbm>> -> memref<1000000x64xf32, #tpu.memory_space<hbm>>
      tpu.enqueue_indirect_dma source(%dma_start3A_411 : memref<1000000x64xf32, #tpu.memory_space<hbm>>) target(%dma_start3A_407 : memref<128x64xf32, #tpu.memory_space<vmem>>) offsets(%dma_start3A_408 : memref<128xi32, #tpu.memory_space<vmem>>) semaphore(%arg10 : memref<!tpu.dma_semaphore, #tpu.memory_space<semaphore_mem>>)
      %add3A_412 = arith.constant 128 : i32
      %add3A_413 = arith.addi %add3A_404, %add3A_412 : i32
      %dma_start3A_414 = arith.constant 128 : i32
      %dma_start3A_415 = arith.constant 0 : i32
      %dma_start3A_416 = tpu.memref_slice %arg6[%dma_start3A_414, %dma_start3A_415] : memref<200x64xf32, #tpu.memory_space<vmem>> -> memref<72x64xf32, #tpu.memory_space<vmem>>
      %dma_start3A_417 = tpu.memref_slice %arg5[%add3A_413] : memref<25600xi32, #tpu.memory_space<vmem>> -> memref<72xi32, #tpu.memory_space<vmem>>
      %dma_start3A_418 = arith.constant 0 : i32
      %dma_start3A_419 = arith.constant 0 : i32
      %dma_start3A_420 = tpu.memref_slice %arg3[%dma_start3A_418, %dma_start3A_419] : memref<1000000x64xf32, #tpu.memory_space<hbm>> -> memref<1000000x64xf32, #tpu.memory_space<hbm>>
      tpu.enqueue_indirect_dma source(%dma_start3A_420 : memref<1000000x64xf32, #tpu.memory_space<hbm>>) target(%dma_start3A_416 : memref<72x64xf32, #tpu.memory_space<vmem>>) offsets(%dma_start3A_417 : memref<72xi32, #tpu.memory_space<vmem>>) semaphore(%arg10 : memref<!tpu.dma_semaphore, #tpu.memory_space<semaphore_mem>>)
      %mul3A_421 = arith.constant 3 : i32
      %mul3A_422 = arith.muli %scan3A_347, %mul3A_421 : i32
      %add3A_423 = arith.constant 1 : i32
      %add3A_424 = arith.addi %mul3A_422, %add3A_423 : i32
      %mul3A_425 = arith.constant 200 : i32
      %mul3A_426 = arith.muli %add3A_424, %mul3A_425 : i32
      %dma_wait3A_427 = arith.constant 0 : i32
      %dma_wait3A_428 = arith.constant 0 : i32
      %dma_wait3A_429 = tpu.memref_slice %arg7[%dma_wait3A_427, %dma_wait3A_428] : memref<200x64xf32, #tpu.memory_space<vmem>> -> memref<128x64xf32, #tpu.memory_space<vmem>>
      %dma_wait3A_430 = tpu.memref_slice %arg5[%mul3A_426] : memref<25600xi32, #tpu.memory_space<vmem>> -> memref<128xi32, #tpu.memory_space<vmem>>
      %dma_wait3A_431 = arith.constant 0 : i32
      %dma_wait3A_432 = arith.constant 0 : i32
      %dma_wait3A_433 = tpu.memref_slice %arg3[%dma_wait3A_431, %dma_wait3A_432] : memref<1000000x64xf32, #tpu.memory_space<hbm>> -> memref<1000000x64xf32, #tpu.memory_space<hbm>>
      tpu.wait_indirect_dma semaphore(%arg11 : memref<!tpu.dma_semaphore, #tpu.memory_space<semaphore_mem>>) src(%dma_wait3A_433 : memref<1000000x64xf32, #tpu.memory_space<hbm>>) dst(%dma_wait3A_429 : memref<128x64xf32, #tpu.memory_space<vmem>>)
      %add3A_434 = arith.constant 128 : i32
      %add3A_435 = arith.addi %mul3A_426, %add3A_434 : i32
      %dma_wait3A_436 = arith.constant 128 : i32
      %dma_wait3A_437 = arith.constant 0 : i32
      %dma_wait3A_438 = tpu.memref_slice %arg7[%dma_wait3A_436, %dma_wait3A_437] : memref<200x64xf32, #tpu.memory_space<vmem>> -> memref<72x64xf32, #tpu.memory_space<vmem>>
      %dma_wait3A_439 = tpu.memref_slice %arg5[%add3A_435] : memref<25600xi32, #tpu.memory_space<vmem>> -> memref<72xi32, #tpu.memory_space<vmem>>
      %dma_wait3A_440 = arith.constant 0 : i32
      %dma_wait3A_441 = arith.constant 0 : i32
      %dma_wait3A_442 = tpu.memref_slice %arg3[%dma_wait3A_440, %dma_wait3A_441] : memref<1000000x64xf32, #tpu.memory_space<hbm>> -> memref<1000000x64xf32, #tpu.memory_space<hbm>>
      tpu.wait_indirect_dma semaphore(%arg11 : memref<!tpu.dma_semaphore, #tpu.memory_space<semaphore_mem>>) src(%dma_wait3A_442 : memref<1000000x64xf32, #tpu.memory_space<hbm>>) dst(%dma_wait3A_438 : memref<72x64xf32, #tpu.memory_space<vmem>>)
      %broadcast_in_dim3A_443 = arith.constant 0.000000e+00 : f32
      %broadcast_in_dim3A_444 = vector.broadcast %broadcast_in_dim3A_443 : f32 to vector<16xf32>
      %scan3A_445 = arith.constant 0 : i32
      %scan3A_446 = arith.constant 50 : i32
      %scan3A_447 = arith.addi %scan3A_445, %scan3A_446 : i32
      %scan3A_448 = arith.constant 1 : i32
      %scan3A_449:8 = scf.for %scan3A_566 = %scan3A_445 to %scan3A_447 step %scan3A_448 iter_args(%scan3A_567 = %broadcast_in_dim3A_444, %scan3A_568 = %broadcast_in_dim3A_444, %scan3A_569 = %broadcast_in_dim3A_444, %scan3A_570 = %broadcast_in_dim3A_444, %scan3A_571 = %broadcast_in_dim3A_444, %scan3A_572 = %broadcast_in_dim3A_444, %scan3A_573 = %broadcast_in_dim3A_444, %scan3A_574 = %broadcast_in_dim3A_444) -> (vector<16xf32>, vector<16xf32>, vector<16xf32>, vector<16xf32>, vector<16xf32>, vector<16xf32>, vector<16xf32>, vector<16xf32>)  : i32 {
        %mul3A_575 = arith.constant 4 : i32
        %mul3A_576 = arith.muli %scan3A_566, %mul3A_575 : i32
        %add3A_577 = arith.constant 0 : i32
        %add3A_578 = arith.addi %mul3A_576, %add3A_577 : i32
        %get3A = arith.index_cast %add3A_578 : i32 to index
        %get3A_579 = arith.constant 0 : index
        %get3A_580 = tpu.vector_load %arg7[%get3A, %get3A_579] {strides = array<i32>} : memref<200x64xf32, #tpu.memory_space<vmem>>, vector<1x16xf32>,
        %get3A_581 = vector.shape_cast %get3A_580 : vector<1x16xf32> to vector<16xf32>
        %add3A_582 = arith.addf %scan3A_567, %get3A_581 : vector<16xf32>
        %add3A_583 = arith.constant 0 : i32
        %add3A_584 = arith.addi %mul3A_576, %add3A_583 : i32
        %get3A_585 = arith.index_cast %add3A_584 : i32 to index
        %get3A_586 = arith.constant 16 : index
        %get3A_587 = tpu.vector_load %arg7[%get3A_585, %get3A_586] {strides = array<i32>} : memref<200x64xf32, #tpu.memory_space<vmem>>, vector<1x16xf32>,
        %get3A_588 = vector.shape_cast %get3A_587 : vector<1x16xf32> to vector<16xf32>
        %add3A_589 = arith.addf %scan3A_569, %get3A_588 : vector<16xf32>
        %add3A_590 = arith.constant 0 : i32
        %add3A_591 = arith.addi %mul3A_576, %add3A_590 : i32
        %get3A_592 = arith.index_cast %add3A_591 : i32 to index
        %get3A_593 = arith.constant 32 : index
        %get3A_594 = tpu.vector_load %arg7[%get3A_592, %get3A_593] {strides = array<i32>} : memref<200x64xf32, #tpu.memory_space<vmem>>, vector<1x16xf32>,
        %get3A_595 = vector.shape_cast %get3A_594 : vector<1x16xf32> to vector<16xf32>
        %add3A_596 = arith.addf %scan3A_571, %get3A_595 : vector<16xf32>
        %add3A_597 = arith.constant 0 : i32
        %add3A_598 = arith.addi %mul3A_576, %add3A_597 : i32
        %get3A_599 = arith.index_cast %add3A_598 : i32 to index
        %get3A_600 = arith.constant 48 : index
        %get3A_601 = tpu.vector_load %arg7[%get3A_599, %get3A_600] {strides = array<i32>} : memref<200x64xf32, #tpu.memory_space<vmem>>, vector<1x16xf32>,
        %get3A_602 = vector.shape_cast %get3A_601 : vector<1x16xf32> to vector<16xf32>
        %add3A_603 = arith.addf %scan3A_573, %get3A_602 : vector<16xf32>
        %add3A_604 = arith.constant 1 : i32
        %add3A_605 = arith.addi %mul3A_576, %add3A_604 : i32
        %get3A_606 = arith.index_cast %add3A_605 : i32 to index
        %get3A_607 = arith.constant 0 : index
        %get3A_608 = tpu.vector_load %arg7[%get3A_606, %get3A_607] {strides = array<i32>} : memref<200x64xf32, #tpu.memory_space<vmem>>, vector<1x16xf32>,
        %get3A_609 = vector.shape_cast %get3A_608 : vector<1x16xf32> to vector<16xf32>
        %add3A_610 = arith.addf %scan3A_568, %get3A_609 : vector<16xf32>
        %add3A_611 = arith.constant 1 : i32
        %add3A_612 = arith.addi %mul3A_576, %add3A_611 : i32
        %get3A_613 = arith.index_cast %add3A_612 : i32 to index
        %get3A_614 = arith.constant 16 : index
        %get3A_615 = tpu.vector_load %arg7[%get3A_613, %get3A_614] {strides = array<i32>} : memref<200x64xf32, #tpu.memory_space<vmem>>, vector<1x16xf32>,
        %get3A_616 = vector.shape_cast %get3A_615 : vector<1x16xf32> to vector<16xf32>
        %add3A_617 = arith.addf %scan3A_570, %get3A_616 : vector<16xf32>
        %add3A_618 = arith.constant 1 : i32
        %add3A_619 = arith.addi %mul3A_576, %add3A_618 : i32
        %get3A_620 = arith.index_cast %add3A_619 : i32 to index
        %get3A_621 = arith.constant 32 : index
        %get3A_622 = tpu.vector_load %arg7[%get3A_620, %get3A_621] {strides = array<i32>} : memref<200x64xf32, #tpu.memory_space<vmem>>, vector<1x16xf32>,
        %get3A_623 = vector.shape_cast %get3A_622 : vector<1x16xf32> to vector<16xf32>
        %add3A_624 = arith.addf %scan3A_572, %get3A_623 : vector<16xf32>
        %add3A_625 = arith.constant 1 : i32
        %add3A_626 = arith.addi %mul3A_576, %add3A_625 : i32
        %get3A_627 = arith.index_cast %add3A_626 : i32 to index
        %get3A_628 = arith.constant 48 : index
        %get3A_629 = tpu.vector_load %arg7[%get3A_627, %get3A_628] {strides = array<i32>} : memref<200x64xf32, #tpu.memory_space<vmem>>, vector<1x16xf32>,
        %get3A_630 = vector.shape_cast %get3A_629 : vector<1x16xf32> to vector<16xf32>
        %add3A_631 = arith.addf %scan3A_574, %get3A_630 : vector<16xf32>
        %add3A_632 = arith.constant 2 : i32
        %add3A_633 = arith.addi %mul3A_576, %add3A_632 : i32
        %get3A_634 = arith.index_cast %add3A_633 : i32 to index
        %get3A_635 = arith.constant 0 : index
        %get3A_636 = tpu.vector_load %arg7[%get3A_634, %get3A_635] {strides = array<i32>} : memref<200x64xf32, #tpu.memory_space<vmem>>, vector<1x16xf32>,
        %get3A_637 = vector.shape_cast %get3A_636 : vector<1x16xf32> to vector<16xf32>
        %add3A_638 = arith.addf %add3A_582, %get3A_637 : vector<16xf32>
        %add3A_639 = arith.constant 2 : i32
        %add3A_640 = arith.addi %mul3A_576, %add3A_639 : i32
        %get3A_641 = arith.index_cast %add3A_640 : i32 to index
        %get3A_642 = arith.constant 16 : index
        %get3A_643 = tpu.vector_load %arg7[%get3A_641, %get3A_642] {strides = array<i32>} : memref<200x64xf32, #tpu.memory_space<vmem>>, vector<1x16xf32>,
        %get3A_644 = vector.shape_cast %get3A_643 : vector<1x16xf32> to vector<16xf32>
        %add3A_645 = arith.addf %add3A_589, %get3A_644 : vector<16xf32>
        %add3A_646 = arith.constant 2 : i32
        %add3A_647 = arith.addi %mul3A_576, %add3A_646 : i32
        %get3A_648 = arith.index_cast %add3A_647 : i32 to index
        %get3A_649 = arith.constant 32 : index
        %get3A_650 = tpu.vector_load %arg7[%get3A_648, %get3A_649] {strides = array<i32>} : memref<200x64xf32, #tpu.memory_space<vmem>>, vector<1x16xf32>,
        %get3A_651 = vector.shape_cast %get3A_650 : vector<1x16xf32> to vector<16xf32>
        %add3A_652 = arith.addf %add3A_596, %get3A_651 : vector<16xf32>
        %add3A_653 = arith.constant 2 : i32
        %add3A_654 = arith.addi %mul3A_576, %add3A_653 : i32
        %get3A_655 = arith.index_cast %add3A_654 : i32 to index
        %get3A_656 = arith.constant 48 : index
        %get3A_657 = tpu.vector_load %arg7[%get3A_655, %get3A_656] {strides = array<i32>} : memref<200x64xf32, #tpu.memory_space<vmem>>, vector<1x16xf32>,
        %get3A_658 = vector.shape_cast %get3A_657 : vector<1x16xf32> to vector<16xf32>
        %add3A_659 = arith.addf %add3A_603, %get3A_658 : vector<16xf32>
        %add3A_660 = arith.constant 3 : i32
        %add3A_661 = arith.addi %mul3A_576, %add3A_660 : i32
        %get3A_662 = arith.index_cast %add3A_661 : i32 to index
        %get3A_663 = arith.constant 0 : index
        %get3A_664 = tpu.vector_load %arg7[%get3A_662, %get3A_663] {strides = array<i32>} : memref<200x64xf32, #tpu.memory_space<vmem>>, vector<1x16xf32>,
        %get3A_665 = vector.shape_cast %get3A_664 : vector<1x16xf32> to vector<16xf32>
        %add3A_666 = arith.addf %add3A_610, %get3A_665 : vector<16xf32>
        %add3A_667 = arith.constant 3 : i32
        %add3A_668 = arith.addi %mul3A_576, %add3A_667 : i32
        %get3A_669 = arith.index_cast %add3A_668 : i32 to index
        %get3A_670 = arith.constant 16 : index
        %get3A_671 = tpu.vector_load %arg7[%get3A_669, %get3A_670] {strides = array<i32>} : memref<200x64xf32, #tpu.memory_space<vmem>>, vector<1x16xf32>,
        %get3A_672 = vector.shape_cast %get3A_671 : vector<1x16xf32> to vector<16xf32>
        %add3A_673 = arith.addf %add3A_617, %get3A_672 : vector<16xf32>
        %add3A_674 = arith.constant 3 : i32
        %add3A_675 = arith.addi %mul3A_576, %add3A_674 : i32
        %get3A_676 = arith.index_cast %add3A_675 : i32 to index
        %get3A_677 = arith.constant 32 : index
        %get3A_678 = tpu.vector_load %arg7[%get3A_676, %get3A_677] {strides = array<i32>} : memref<200x64xf32, #tpu.memory_space<vmem>>, vector<1x16xf32>,
        %get3A_679 = vector.shape_cast %get3A_678 : vector<1x16xf32> to vector<16xf32>
        %add3A_680 = arith.addf %add3A_624, %get3A_679 : vector<16xf32>
        %add3A_681 = arith.constant 3 : i32
        %add3A_682 = arith.addi %mul3A_576, %add3A_681 : i32
        %get3A_683 = arith.index_cast %add3A_682 : i32 to index
        %get3A_684 = arith.constant 48 : index
        %get3A_685 = tpu.vector_load %arg7[%get3A_683, %get3A_684] {strides = array<i32>} : memref<200x64xf32, #tpu.memory_space<vmem>>, vector<1x16xf32>,
        %get3A_686 = vector.shape_cast %get3A_685 : vector<1x16xf32> to vector<16xf32>
        %add3A_687 = arith.addf %add3A_631, %get3A_686 : vector<16xf32>
        scf.yield %add3A_638, %add3A_666, %add3A_645, %add3A_673, %add3A_652, %add3A_680, %add3A_659, %add3A_687 : vector<16xf32>, vector<16xf32>, vector<16xf32>, vector<16xf32>, vector<16xf32>, vector<16xf32>, vector<16xf32>, vector<16xf32>
      }
      %scan3A_450 = arith.constant 50 : i32
      %add3A_451 = arith.addf %scan3A_449#0, %scan3A_449#1 : vector<16xf32>
      %swap3A_452 = arith.index_cast %add3A_424 : i32 to index
      %swap3A_453 = arith.constant 0 : index
      %swap3A_454 = tpu.vector_load %arg9[%swap3A_452, %swap3A_453] {strides = array<i32>} : memref<128x64xf32, #tpu.memory_space<vmem>>, vector<1x16xf32>,
      %swap3A_455 = vector.shape_cast %swap3A_454 : vector<1x16xf32> to vector<16xf32>
      %swap3A_456 = vector.shape_cast %add3A_451 : vector<16xf32> to vector<1x16xf32>
      tpu.vector_store %arg9[%swap3A_452, %swap3A_453], %swap3A_456 {strides = array<i32>} : memref<128x64xf32, #tpu.memory_space<vmem>>, vector<1x16xf32>,
      %add3A_457 = arith.addf %scan3A_449#2, %scan3A_449#3 : vector<16xf32>
      %swap3A_458 = arith.index_cast %add3A_424 : i32 to index
      %swap3A_459 = arith.constant 16 : index
      %swap3A_460 = tpu.vector_load %arg9[%swap3A_458, %swap3A_459] {strides = array<i32>} : memref<128x64xf32, #tpu.memory_space<vmem>>, vector<1x16xf32>,
      %swap3A_461 = vector.shape_cast %swap3A_460 : vector<1x16xf32> to vector<16xf32>
      %swap3A_462 = vector.shape_cast %add3A_457 : vector<16xf32> to vector<1x16xf32>
      tpu.vector_store %arg9[%swap3A_458, %swap3A_459], %swap3A_462 {strides = array<i32>} : memref<128x64xf32, #tpu.memory_space<vmem>>, vector<1x16xf32>,
      %add3A_463 = arith.addf %scan3A_449#4, %scan3A_449#5 : vector<16xf32>
      %swap3A_464 = arith.index_cast %add3A_424 : i32 to index
      %swap3A_465 = arith.constant 32 : index
      %swap3A_466 = tpu.vector_load %arg9[%swap3A_464, %swap3A_465] {strides = array<i32>} : memref<128x64xf32, #tpu.memory_space<vmem>>, vector<1x16xf32>,
      %swap3A_467 = vector.shape_cast %swap3A_466 : vector<1x16xf32> to vector<16xf32>
      %swap3A_468 = vector.shape_cast %add3A_463 : vector<16xf32> to vector<1x16xf32>
      tpu.vector_store %arg9[%swap3A_464, %swap3A_465], %swap3A_468 {strides = array<i32>} : memref<128x64xf32, #tpu.memory_space<vmem>>, vector<1x16xf32>,
      %add3A_469 = arith.addf %scan3A_449#6, %scan3A_449#7 : vector<16xf32>
      %swap3A_470 = arith.index_cast %add3A_424 : i32 to index
      %swap3A_471 = arith.constant 48 : index
      %swap3A_472 = tpu.vector_load %arg9[%swap3A_470, %swap3A_471] {strides = array<i32>} : memref<128x64xf32, #tpu.memory_space<vmem>>, vector<1x16xf32>,
      %swap3A_473 = vector.shape_cast %swap3A_472 : vector<1x16xf32> to vector<16xf32>
      %swap3A_474 = vector.shape_cast %add3A_469 : vector<16xf32> to vector<1x16xf32>
      tpu.vector_store %arg9[%swap3A_470, %swap3A_471], %swap3A_474 {strides = array<i32>} : memref<128x64xf32, #tpu.memory_space<vmem>>, vector<1x16xf32>,
      %add3A_475 = arith.constant 600 : i32
      %add3A_476 = arith.addi %mul3A_426, %add3A_475 : i32
      %dma_start3A_477 = arith.constant 0 : i32
      %dma_start3A_478 = arith.constant 0 : i32
      %dma_start3A_479 = tpu.memref_slice %arg7[%dma_start3A_477, %dma_start3A_478] : memref<200x64xf32, #tpu.memory_space<vmem>> -> memref<128x64xf32, #tpu.memory_space<vmem>>
      %dma_start3A_480 = tpu.memref_slice %arg5[%add3A_476] : memref<25600xi32, #tpu.memory_space<vmem>> -> memref<128xi32, #tpu.memory_space<vmem>>
      %dma_start3A_481 = arith.constant 0 : i32
      %dma_start3A_482 = arith.constant 0 : i32
      %dma_start3A_483 = tpu.memref_slice %arg3[%dma_start3A_481, %dma_start3A_482] : memref<1000000x64xf32, #tpu.memory_space<hbm>> -> memref<1000000x64xf32, #tpu.memory_space<hbm>>
      tpu.enqueue_indirect_dma source(%dma_start3A_483 : memref<1000000x64xf32, #tpu.memory_space<hbm>>) target(%dma_start3A_479 : memref<128x64xf32, #tpu.memory_space<vmem>>) offsets(%dma_start3A_480 : memref<128xi32, #tpu.memory_space<vmem>>) semaphore(%arg11 : memref<!tpu.dma_semaphore, #tpu.memory_space<semaphore_mem>>)
      %add3A_484 = arith.constant 128 : i32
      %add3A_485 = arith.addi %add3A_476, %add3A_484 : i32
      %dma_start3A_486 = arith.constant 128 : i32
      %dma_start3A_487 = arith.constant 0 : i32
      %dma_start3A_488 = tpu.memref_slice %arg7[%dma_start3A_486, %dma_start3A_487] : memref<200x64xf32, #tpu.memory_space<vmem>> -> memref<72x64xf32, #tpu.memory_space<vmem>>
      %dma_start3A_489 = tpu.memref_slice %arg5[%add3A_485] : memref<25600xi32, #tpu.memory_space<vmem>> -> memref<72xi32, #tpu.memory_space<vmem>>
      %dma_start3A_490 = arith.constant 0 : i32
      %dma_start3A_491 = arith.constant 0 : i32
      %dma_start3A_492 = tpu.memref_slice %arg3[%dma_start3A_490, %dma_start3A_491] : memref<1000000x64xf32, #tpu.memory_space<hbm>> -> memref<1000000x64xf32, #tpu.memory_space<hbm>>
      tpu.enqueue_indirect_dma source(%dma_start3A_492 : memref<1000000x64xf32, #tpu.memory_space<hbm>>) target(%dma_start3A_488 : memref<72x64xf32, #tpu.memory_space<vmem>>) offsets(%dma_start3A_489 : memref<72xi32, #tpu.memory_space<vmem>>) semaphore(%arg11 : memref<!tpu.dma_semaphore, #tpu.memory_space<semaphore_mem>>)
      %mul3A_493 = arith.constant 3 : i32
      %mul3A_494 = arith.muli %scan3A_347, %mul3A_493 : i32
      %add3A_495 = arith.constant 2 : i32
      %add3A_496 = arith.addi %mul3A_494, %add3A_495 : i32
      %mul3A_497 = arith.constant 200 : i32
      %mul3A_498 = arith.muli %add3A_496, %mul3A_497 : i32
      %dma_wait3A_499 = arith.constant 0 : i32
      %dma_wait3A_500 = arith.constant 0 : i32
      %dma_wait3A_501 = tpu.memref_slice %arg8[%dma_wait3A_499, %dma_wait3A_500] : memref<200x64xf32, #tpu.memory_space<vmem>> -> memref<128x64xf32, #tpu.memory_space<vmem>>
      %dma_wait3A_502 = tpu.memref_slice %arg5[%mul3A_498] : memref<25600xi32, #tpu.memory_space<vmem>> -> memref<128xi32, #tpu.memory_space<vmem>>
      %dma_wait3A_503 = arith.constant 0 : i32
      %dma_wait3A_504 = arith.constant 0 : i32
      %dma_wait3A_505 = tpu.memref_slice %arg3[%dma_wait3A_503, %dma_wait3A_504] : memref<1000000x64xf32, #tpu.memory_space<hbm>> -> memref<1000000x64xf32, #tpu.memory_space<hbm>>
      tpu.wait_indirect_dma semaphore(%arg12 : memref<!tpu.dma_semaphore, #tpu.memory_space<semaphore_mem>>) src(%dma_wait3A_505 : memref<1000000x64xf32, #tpu.memory_space<hbm>>) dst(%dma_wait3A_501 : memref<128x64xf32, #tpu.memory_space<vmem>>)
      %add3A_506 = arith.constant 128 : i32
      %add3A_507 = arith.addi %mul3A_498, %add3A_506 : i32
      %dma_wait3A_508 = arith.constant 128 : i32
      %dma_wait3A_509 = arith.constant 0 : i32
      %dma_wait3A_510 = tpu.memref_slice %arg8[%dma_wait3A_508, %dma_wait3A_509] : memref<200x64xf32, #tpu.memory_space<vmem>> -> memref<72x64xf32, #tpu.memory_space<vmem>>
      %dma_wait3A_511 = tpu.memref_slice %arg5[%add3A_507] : memref<25600xi32, #tpu.memory_space<vmem>> -> memref<72xi32, #tpu.memory_space<vmem>>
      %dma_wait3A_512 = arith.constant 0 : i32
      %dma_wait3A_513 = arith.constant 0 : i32
      %dma_wait3A_514 = tpu.memref_slice %arg3[%dma_wait3A_512, %dma_wait3A_513] : memref<1000000x64xf32, #tpu.memory_space<hbm>> -> memref<1000000x64xf32, #tpu.memory_space<hbm>>
      tpu.wait_indirect_dma semaphore(%arg12 : memref<!tpu.dma_semaphore, #tpu.memory_space<semaphore_mem>>) src(%dma_wait3A_514 : memref<1000000x64xf32, #tpu.memory_space<hbm>>) dst(%dma_wait3A_510 : memref<72x64xf32, #tpu.memory_space<vmem>>)
      %broadcast_in_dim3A_515 = arith.constant 0.000000e+00 : f32
      %broadcast_in_dim3A_516 = vector.broadcast %broadcast_in_dim3A_515 : f32 to vector<16xf32>
      %scan3A_517 = arith.constant 0 : i32
      %scan3A_518 = arith.constant 50 : i32
      %scan3A_519 = arith.addi %scan3A_517, %scan3A_518 : i32
      %scan3A_520 = arith.constant 1 : i32
      %scan3A_521:8 = scf.for %scan3A_566 = %scan3A_517 to %scan3A_519 step %scan3A_520 iter_args(%scan3A_567 = %broadcast_in_dim3A_516, %scan3A_568 = %broadcast_in_dim3A_516, %scan3A_569 = %broadcast_in_dim3A_516, %scan3A_570 = %broadcast_in_dim3A_516, %scan3A_571 = %broadcast_in_dim3A_516, %scan3A_572 = %broadcast_in_dim3A_516, %scan3A_573 = %broadcast_in_dim3A_516, %scan3A_574 = %broadcast_in_dim3A_516) -> (vector<16xf32>, vector<16xf32>, vector<16xf32>, vector<16xf32>, vector<16xf32>, vector<16xf32>, vector<16xf32>, vector<16xf32>)  : i32 {
        %mul3A_575 = arith.constant 4 : i32
        %mul3A_576 = arith.muli %scan3A_566, %mul3A_575 : i32
        %add3A_577 = arith.constant 0 : i32
        %add3A_578 = arith.addi %mul3A_576, %add3A_577 : i32
        %get3A = arith.index_cast %add3A_578 : i32 to index
        %get3A_579 = arith.constant 0 : index
        %get3A_580 = tpu.vector_load %arg8[%get3A, %get3A_579] {strides = array<i32>} : memref<200x64xf32, #tpu.memory_space<vmem>>, vector<1x16xf32>,
        %get3A_581 = vector.shape_cast %get3A_580 : vector<1x16xf32> to vector<16xf32>
        %add3A_582 = arith.addf %scan3A_567, %get3A_581 : vector<16xf32>
        %add3A_583 = arith.constant 0 : i32
        %add3A_584 = arith.addi %mul3A_576, %add3A_583 : i32
        %get3A_585 = arith.index_cast %add3A_584 : i32 to index
        %get3A_586 = arith.constant 16 : index
        %get3A_587 = tpu.vector_load %arg8[%get3A_585, %get3A_586] {strides = array<i32>} : memref<200x64xf32, #tpu.memory_space<vmem>>, vector<1x16xf32>,
        %get3A_588 = vector.shape_cast %get3A_587 : vector<1x16xf32> to vector<16xf32>
        %add3A_589 = arith.addf %scan3A_569, %get3A_588 : vector<16xf32>
        %add3A_590 = arith.constant 0 : i32
        %add3A_591 = arith.addi %mul3A_576, %add3A_590 : i32
        %get3A_592 = arith.index_cast %add3A_591 : i32 to index
        %get3A_593 = arith.constant 32 : index
        %get3A_594 = tpu.vector_load %arg8[%get3A_592, %get3A_593] {strides = array<i32>} : memref<200x64xf32, #tpu.memory_space<vmem>>, vector<1x16xf32>,
        %get3A_595 = vector.shape_cast %get3A_594 : vector<1x16xf32> to vector<16xf32>
        %add3A_596 = arith.addf %scan3A_571, %get3A_595 : vector<16xf32>
        %add3A_597 = arith.constant 0 : i32
        %add3A_598 = arith.addi %mul3A_576, %add3A_597 : i32
        %get3A_599 = arith.index_cast %add3A_598 : i32 to index
        %get3A_600 = arith.constant 48 : index
        %get3A_601 = tpu.vector_load %arg8[%get3A_599, %get3A_600] {strides = array<i32>} : memref<200x64xf32, #tpu.memory_space<vmem>>, vector<1x16xf32>,
        %get3A_602 = vector.shape_cast %get3A_601 : vector<1x16xf32> to vector<16xf32>
        %add3A_603 = arith.addf %scan3A_573, %get3A_602 : vector<16xf32>
        %add3A_604 = arith.constant 1 : i32
        %add3A_605 = arith.addi %mul3A_576, %add3A_604 : i32
        %get3A_606 = arith.index_cast %add3A_605 : i32 to index
        %get3A_607 = arith.constant 0 : index
        %get3A_608 = tpu.vector_load %arg8[%get3A_606, %get3A_607] {strides = array<i32>} : memref<200x64xf32, #tpu.memory_space<vmem>>, vector<1x16xf32>,
        %get3A_609 = vector.shape_cast %get3A_608 : vector<1x16xf32> to vector<16xf32>
        %add3A_610 = arith.addf %scan3A_568, %get3A_609 : vector<16xf32>
        %add3A_611 = arith.constant 1 : i32
        %add3A_612 = arith.addi %mul3A_576, %add3A_611 : i32
        %get3A_613 = arith.index_cast %add3A_612 : i32 to index
        %get3A_614 = arith.constant 16 : index
        %get3A_615 = tpu.vector_load %arg8[%get3A_613, %get3A_614] {strides = array<i32>} : memref<200x64xf32, #tpu.memory_space<vmem>>, vector<1x16xf32>,
        %get3A_616 = vector.shape_cast %get3A_615 : vector<1x16xf32> to vector<16xf32>
        %add3A_617 = arith.addf %scan3A_570, %get3A_616 : vector<16xf32>
        %add3A_618 = arith.constant 1 : i32
        %add3A_619 = arith.addi %mul3A_576, %add3A_618 : i32
        %get3A_620 = arith.index_cast %add3A_619 : i32 to index
        %get3A_621 = arith.constant 32 : index
        %get3A_622 = tpu.vector_load %arg8[%get3A_620, %get3A_621] {strides = array<i32>} : memref<200x64xf32, #tpu.memory_space<vmem>>, vector<1x16xf32>,
        %get3A_623 = vector.shape_cast %get3A_622 : vector<1x16xf32> to vector<16xf32>
        %add3A_624 = arith.addf %scan3A_572, %get3A_623 : vector<16xf32>
        %add3A_625 = arith.constant 1 : i32
        %add3A_626 = arith.addi %mul3A_576, %add3A_625 : i32
        %get3A_627 = arith.index_cast %add3A_626 : i32 to index
        %get3A_628 = arith.constant 48 : index
        %get3A_629 = tpu.vector_load %arg8[%get3A_627, %get3A_628] {strides = array<i32>} : memref<200x64xf32, #tpu.memory_space<vmem>>, vector<1x16xf32>,
        %get3A_630 = vector.shape_cast %get3A_629 : vector<1x16xf32> to vector<16xf32>
        %add3A_631 = arith.addf %scan3A_574, %get3A_630 : vector<16xf32>
        %add3A_632 = arith.constant 2 : i32
        %add3A_633 = arith.addi %mul3A_576, %add3A_632 : i32
        %get3A_634 = arith.index_cast %add3A_633 : i32 to index
        %get3A_635 = arith.constant 0 : index
        %get3A_636 = tpu.vector_load %arg8[%get3A_634, %get3A_635] {strides = array<i32>} : memref<200x64xf32, #tpu.memory_space<vmem>>, vector<1x16xf32>,
        %get3A_637 = vector.shape_cast %get3A_636 : vector<1x16xf32> to vector<16xf32>
        %add3A_638 = arith.addf %add3A_582, %get3A_637 : vector<16xf32>
        %add3A_639 = arith.constant 2 : i32
        %add3A_640 = arith.addi %mul3A_576, %add3A_639 : i32
        %get3A_641 = arith.index_cast %add3A_640 : i32 to index
        %get3A_642 = arith.constant 16 : index
        %get3A_643 = tpu.vector_load %arg8[%get3A_641, %get3A_642] {strides = array<i32>} : memref<200x64xf32, #tpu.memory_space<vmem>>, vector<1x16xf32>,
        %get3A_644 = vector.shape_cast %get3A_643 : vector<1x16xf32> to vector<16xf32>
        %add3A_645 = arith.addf %add3A_589, %get3A_644 : vector<16xf32>
        %add3A_646 = arith.constant 2 : i32
        %add3A_647 = arith.addi %mul3A_576, %add3A_646 : i32
        %get3A_648 = arith.index_cast %add3A_647 : i32 to index
        %get3A_649 = arith.constant 32 : index
        %get3A_650 = tpu.vector_load %arg8[%get3A_648, %get3A_649] {strides = array<i32>} : memref<200x64xf32, #tpu.memory_space<vmem>>, vector<1x16xf32>,
        %get3A_651 = vector.shape_cast %get3A_650 : vector<1x16xf32> to vector<16xf32>
        %add3A_652 = arith.addf %add3A_596, %get3A_651 : vector<16xf32>
        %add3A_653 = arith.constant 2 : i32
        %add3A_654 = arith.addi %mul3A_576, %add3A_653 : i32
        %get3A_655 = arith.index_cast %add3A_654 : i32 to index
        %get3A_656 = arith.constant 48 : index
        %get3A_657 = tpu.vector_load %arg8[%get3A_655, %get3A_656] {strides = array<i32>} : memref<200x64xf32, #tpu.memory_space<vmem>>, vector<1x16xf32>,
        %get3A_658 = vector.shape_cast %get3A_657 : vector<1x16xf32> to vector<16xf32>
        %add3A_659 = arith.addf %add3A_603, %get3A_658 : vector<16xf32>
        %add3A_660 = arith.constant 3 : i32
        %add3A_661 = arith.addi %mul3A_576, %add3A_660 : i32
        %get3A_662 = arith.index_cast %add3A_661 : i32 to index
        %get3A_663 = arith.constant 0 : index
        %get3A_664 = tpu.vector_load %arg8[%get3A_662, %get3A_663] {strides = array<i32>} : memref<200x64xf32, #tpu.memory_space<vmem>>, vector<1x16xf32>,
        %get3A_665 = vector.shape_cast %get3A_664 : vector<1x16xf32> to vector<16xf32>
        %add3A_666 = arith.addf %add3A_610, %get3A_665 : vector<16xf32>
        %add3A_667 = arith.constant 3 : i32
        %add3A_668 = arith.addi %mul3A_576, %add3A_667 : i32
        %get3A_669 = arith.index_cast %add3A_668 : i32 to index
        %get3A_670 = arith.constant 16 : index
        %get3A_671 = tpu.vector_load %arg8[%get3A_669, %get3A_670] {strides = array<i32>} : memref<200x64xf32, #tpu.memory_space<vmem>>, vector<1x16xf32>,
        %get3A_672 = vector.shape_cast %get3A_671 : vector<1x16xf32> to vector<16xf32>
        %add3A_673 = arith.addf %add3A_617, %get3A_672 : vector<16xf32>
        %add3A_674 = arith.constant 3 : i32
        %add3A_675 = arith.addi %mul3A_576, %add3A_674 : i32
        %get3A_676 = arith.index_cast %add3A_675 : i32 to index
        %get3A_677 = arith.constant 32 : index
        %get3A_678 = tpu.vector_load %arg8[%get3A_676, %get3A_677] {strides = array<i32>} : memref<200x64xf32, #tpu.memory_space<vmem>>, vector<1x16xf32>,
        %get3A_679 = vector.shape_cast %get3A_678 : vector<1x16xf32> to vector<16xf32>
        %add3A_680 = arith.addf %add3A_624, %get3A_679 : vector<16xf32>
        %add3A_681 = arith.constant 3 : i32
        %add3A_682 = arith.addi %mul3A_576, %add3A_681 : i32
        %get3A_683 = arith.index_cast %add3A_682 : i32 to index
        %get3A_684 = arith.constant 48 : index
        %get3A_685 = tpu.vector_load %arg8[%get3A_683, %get3A_684] {strides = array<i32>} : memref<200x64xf32, #tpu.memory_space<vmem>>, vector<1x16xf32>,
        %get3A_686 = vector.shape_cast %get3A_685 : vector<1x16xf32> to vector<16xf32>
        %add3A_687 = arith.addf %add3A_631, %get3A_686 : vector<16xf32>
        scf.yield %add3A_638, %add3A_666, %add3A_645, %add3A_673, %add3A_652, %add3A_680, %add3A_659, %add3A_687 : vector<16xf32>, vector<16xf32>, vector<16xf32>, vector<16xf32>, vector<16xf32>, vector<16xf32>, vector<16xf32>, vector<16xf32>
      }
      %scan3A_522 = arith.constant 50 : i32
      %add3A_523 = arith.addf %scan3A_521#0, %scan3A_521#1 : vector<16xf32>
      %swap3A_524 = arith.index_cast %add3A_496 : i32 to index
      %swap3A_525 = arith.constant 0 : index
      %swap3A_526 = tpu.vector_load %arg9[%swap3A_524, %swap3A_525] {strides = array<i32>} : memref<128x64xf32, #tpu.memory_space<vmem>>, vector<1x16xf32>,
      %swap3A_527 = vector.shape_cast %swap3A_526 : vector<1x16xf32> to vector<16xf32>
      %swap3A_528 = vector.shape_cast %add3A_523 : vector<16xf32> to vector<1x16xf32>
      tpu.vector_store %arg9[%swap3A_524, %swap3A_525], %swap3A_528 {strides = array<i32>} : memref<128x64xf32, #tpu.memory_space<vmem>>, vector<1x16xf32>,
      %add3A_529 = arith.addf %scan3A_521#2, %scan3A_521#3 : vector<16xf32>
      %swap3A_530 = arith.index_cast %add3A_496 : i32 to index
      %swap3A_531 = arith.constant 16 : index
      %swap3A_532 = tpu.vector_load %arg9[%swap3A_530, %swap3A_531] {strides = array<i32>} : memref<128x64xf32, #tpu.memory_space<vmem>>, vector<1x16xf32>,
      %swap3A_533 = vector.shape_cast %swap3A_532 : vector<1x16xf32> to vector<16xf32>
      %swap3A_534 = vector.shape_cast %add3A_529 : vector<16xf32> to vector<1x16xf32>
      tpu.vector_store %arg9[%swap3A_530, %swap3A_531], %swap3A_534 {strides = array<i32>} : memref<128x64xf32, #tpu.memory_space<vmem>>, vector<1x16xf32>,
      %add3A_535 = arith.addf %scan3A_521#4, %scan3A_521#5 : vector<16xf32>
      %swap3A_536 = arith.index_cast %add3A_496 : i32 to index
      %swap3A_537 = arith.constant 32 : index
      %swap3A_538 = tpu.vector_load %arg9[%swap3A_536, %swap3A_537] {strides = array<i32>} : memref<128x64xf32, #tpu.memory_space<vmem>>, vector<1x16xf32>,
      %swap3A_539 = vector.shape_cast %swap3A_538 : vector<1x16xf32> to vector<16xf32>
      %swap3A_540 = vector.shape_cast %add3A_535 : vector<16xf32> to vector<1x16xf32>
      tpu.vector_store %arg9[%swap3A_536, %swap3A_537], %swap3A_540 {strides = array<i32>} : memref<128x64xf32, #tpu.memory_space<vmem>>, vector<1x16xf32>,
      %add3A_541 = arith.addf %scan3A_521#6, %scan3A_521#7 : vector<16xf32>
      %swap3A_542 = arith.index_cast %add3A_496 : i32 to index
      %swap3A_543 = arith.constant 48 : index
      %swap3A_544 = tpu.vector_load %arg9[%swap3A_542, %swap3A_543] {strides = array<i32>} : memref<128x64xf32, #tpu.memory_space<vmem>>, vector<1x16xf32>,
      %swap3A_545 = vector.shape_cast %swap3A_544 : vector<1x16xf32> to vector<16xf32>
      %swap3A_546 = vector.shape_cast %add3A_541 : vector<16xf32> to vector<1x16xf32>
      tpu.vector_store %arg9[%swap3A_542, %swap3A_543], %swap3A_546 {strides = array<i32>} : memref<128x64xf32, #tpu.memory_space<vmem>>, vector<1x16xf32>,
      %add3A_547 = arith.constant 600 : i32
      %add3A_548 = arith.addi %mul3A_498, %add3A_547 : i32
      %dma_start3A_549 = arith.constant 0 : i32
      %dma_start3A_550 = arith.constant 0 : i32
      %dma_start3A_551 = tpu.memref_slice %arg8[%dma_start3A_549, %dma_start3A_550] : memref<200x64xf32, #tpu.memory_space<vmem>> -> memref<128x64xf32, #tpu.memory_space<vmem>>
      %dma_start3A_552 = tpu.memref_slice %arg5[%add3A_548] : memref<25600xi32, #tpu.memory_space<vmem>> -> memref<128xi32, #tpu.memory_space<vmem>>
      %dma_start3A_553 = arith.constant 0 : i32
      %dma_start3A_554 = arith.constant 0 : i32
      %dma_start3A_555 = tpu.memref_slice %arg3[%dma_start3A_553, %dma_start3A_554] : memref<1000000x64xf32, #tpu.memory_space<hbm>> -> memref<1000000x64xf32, #tpu.memory_space<hbm>>
      tpu.enqueue_indirect_dma source(%dma_start3A_555 : memref<1000000x64xf32, #tpu.memory_space<hbm>>) target(%dma_start3A_551 : memref<128x64xf32, #tpu.memory_space<vmem>>) offsets(%dma_start3A_552 : memref<128xi32, #tpu.memory_space<vmem>>) semaphore(%arg12 : memref<!tpu.dma_semaphore, #tpu.memory_space<semaphore_mem>>)
      %add3A_556 = arith.constant 128 : i32
      %add3A_557 = arith.addi %add3A_548, %add3A_556 : i32
      %dma_start3A_558 = arith.constant 128 : i32
      %dma_start3A_559 = arith.constant 0 : i32
      %dma_start3A_560 = tpu.memref_slice %arg8[%dma_start3A_558, %dma_start3A_559] : memref<200x64xf32, #tpu.memory_space<vmem>> -> memref<72x64xf32, #tpu.memory_space<vmem>>
      %dma_start3A_561 = tpu.memref_slice %arg5[%add3A_557] : memref<25600xi32, #tpu.memory_space<vmem>> -> memref<72xi32, #tpu.memory_space<vmem>>
      %dma_start3A_562 = arith.constant 0 : i32
      %dma_start3A_563 = arith.constant 0 : i32
      %dma_start3A_564 = tpu.memref_slice %arg3[%dma_start3A_562, %dma_start3A_563] : memref<1000000x64xf32, #tpu.memory_space<hbm>> -> memref<1000000x64xf32, #tpu.memory_space<hbm>>
      tpu.enqueue_indirect_dma source(%dma_start3A_564 : memref<1000000x64xf32, #tpu.memory_space<hbm>>) target(%dma_start3A_560 : memref<72x64xf32, #tpu.memory_space<vmem>>) offsets(%dma_start3A_561 : memref<72xi32, #tpu.memory_space<vmem>>) semaphore(%arg12 : memref<!tpu.dma_semaphore, #tpu.memory_space<semaphore_mem>>)
      %scan3A_565 = arith.constant 0 : i32
      scf.yield %scan3A_565 : i32
    }
    %scan3A_57 = arith.constant 41 : i32
    %dma_wait3A = arith.constant 0 : i32
    %dma_wait3A_58 = arith.constant 0 : i32
    %dma_wait3A_59 = tpu.memref_slice %arg6[%dma_wait3A, %dma_wait3A_58] : memref<200x64xf32, #tpu.memory_space<vmem>> -> memref<128x64xf32, #tpu.memory_space<vmem>>
    %dma_wait3A_60 = arith.constant 24600 : i32
    %dma_wait3A_61 = tpu.memref_slice %arg5[%dma_wait3A_60] : memref<25600xi32, #tpu.memory_space<vmem>> -> memref<128xi32, #tpu.memory_space<vmem>>
    %dma_wait3A_62 = arith.constant 0 : i32
    %dma_wait3A_63 = arith.constant 0 : i32
    %dma_wait3A_64 = tpu.memref_slice %arg3[%dma_wait3A_62, %dma_wait3A_63] : memref<1000000x64xf32, #tpu.memory_space<hbm>> -> memref<1000000x64xf32, #tpu.memory_space<hbm>>
    tpu.wait_indirect_dma semaphore(%arg10 : memref<!tpu.dma_semaphore, #tpu.memory_space<semaphore_mem>>) src(%dma_wait3A_64 : memref<1000000x64xf32, #tpu.memory_space<hbm>>) dst(%dma_wait3A_59 : memref<128x64xf32, #tpu.memory_space<vmem>>)
    %dma_wait3A_65 = arith.constant 128 : i32
    %dma_wait3A_66 = arith.constant 0 : i32
    %dma_wait3A_67 = tpu.memref_slice %arg6[%dma_wait3A_65, %dma_wait3A_66] : memref<200x64xf32, #tpu.memory_space<vmem>> -> memref<72x64xf32, #tpu.memory_space<vmem>>
    %dma_wait3A_68 = arith.constant 24728 : i32
    %dma_wait3A_69 = tpu.memref_slice %arg5[%dma_wait3A_68] : memref<25600xi32, #tpu.memory_space<vmem>> -> memref<72xi32, #tpu.memory_space<vmem>>
    %dma_wait3A_70 = arith.constant 0 : i32
    %dma_wait3A_71 = arith.constant 0 : i32
    %dma_wait3A_72 = tpu.memref_slice %arg3[%dma_wait3A_70, %dma_wait3A_71] : memref<1000000x64xf32, #tpu.memory_space<hbm>> -> memref<1000000x64xf32, #tpu.memory_space<hbm>>
    tpu.wait_indirect_dma semaphore(%arg10 : memref<!tpu.dma_semaphore, #tpu.memory_space<semaphore_mem>>) src(%dma_wait3A_72 : memref<1000000x64xf32, #tpu.memory_space<hbm>>) dst(%dma_wait3A_67 : memref<72x64xf32, #tpu.memory_space<vmem>>)
    %broadcast_in_dim3A = arith.constant 0.000000e+00 : f32
    %broadcast_in_dim3A_73 = vector.broadcast %broadcast_in_dim3A : f32 to vector<16xf32>
    %scan3A_74 = arith.constant 0 : i32
    %scan3A_75 = arith.constant 50 : i32
    %scan3A_76 = arith.addi %scan3A_74, %scan3A_75 : i32
    %scan3A_77 = arith.constant 1 : i32
    %scan3A_78:8 = scf.for %scan3A_347 = %scan3A_74 to %scan3A_76 step %scan3A_77 iter_args(%scan3A_348 = %broadcast_in_dim3A_73, %scan3A_349 = %broadcast_in_dim3A_73, %scan3A_350 = %broadcast_in_dim3A_73, %scan3A_351 = %broadcast_in_dim3A_73, %scan3A_352 = %broadcast_in_dim3A_73, %scan3A_353 = %broadcast_in_dim3A_73, %scan3A_354 = %broadcast_in_dim3A_73, %scan3A_355 = %broadcast_in_dim3A_73) -> (vector<16xf32>, vector<16xf32>, vector<16xf32>, vector<16xf32>, vector<16xf32>, vector<16xf32>, vector<16xf32>, vector<16xf32>)  : i32 {
      %mul3A_356 = arith.constant 4 : i32
      %mul3A_357 = arith.muli %scan3A_347, %mul3A_356 : i32
      %add3A_358 = arith.constant 0 : i32
      %add3A_359 = arith.addi %mul3A_357, %add3A_358 : i32
      %get3A = arith.index_cast %add3A_359 : i32 to index
      %get3A_360 = arith.constant 0 : index
      %get3A_361 = tpu.vector_load %arg6[%get3A, %get3A_360] {strides = array<i32>} : memref<200x64xf32, #tpu.memory_space<vmem>>, vector<1x16xf32>,
      %get3A_362 = vector.shape_cast %get3A_361 : vector<1x16xf32> to vector<16xf32>
      %add3A_363 = arith.addf %scan3A_348, %get3A_362 : vector<16xf32>
      %add3A_364 = arith.constant 0 : i32
      %add3A_365 = arith.addi %mul3A_357, %add3A_364 : i32
      %get3A_366 = arith.index_cast %add3A_365 : i32 to index
      %get3A_367 = arith.constant 16 : index
      %get3A_368 = tpu.vector_load %arg6[%get3A_366, %get3A_367] {strides = array<i32>} : memref<200x64xf32, #tpu.memory_space<vmem>>, vector<1x16xf32>,
      %get3A_369 = vector.shape_cast %get3A_368 : vector<1x16xf32> to vector<16xf32>
      %add3A_370 = arith.addf %scan3A_350, %get3A_369 : vector<16xf32>
      %add3A_371 = arith.constant 0 : i32
      %add3A_372 = arith.addi %mul3A_357, %add3A_371 : i32
      %get3A_373 = arith.index_cast %add3A_372 : i32 to index
      %get3A_374 = arith.constant 32 : index
      %get3A_375 = tpu.vector_load %arg6[%get3A_373, %get3A_374] {strides = array<i32>} : memref<200x64xf32, #tpu.memory_space<vmem>>, vector<1x16xf32>,
      %get3A_376 = vector.shape_cast %get3A_375 : vector<1x16xf32> to vector<16xf32>
      %add3A_377 = arith.addf %scan3A_352, %get3A_376 : vector<16xf32>
      %add3A_378 = arith.constant 0 : i32
      %add3A_379 = arith.addi %mul3A_357, %add3A_378 : i32
      %get3A_380 = arith.index_cast %add3A_379 : i32 to index
      %get3A_381 = arith.constant 48 : index
      %get3A_382 = tpu.vector_load %arg6[%get3A_380, %get3A_381] {strides = array<i32>} : memref<200x64xf32, #tpu.memory_space<vmem>>, vector<1x16xf32>,
      %get3A_383 = vector.shape_cast %get3A_382 : vector<1x16xf32> to vector<16xf32>
      %add3A_384 = arith.addf %scan3A_354, %get3A_383 : vector<16xf32>
      %add3A_385 = arith.constant 1 : i32
      %add3A_386 = arith.addi %mul3A_357, %add3A_385 : i32
      %get3A_387 = arith.index_cast %add3A_386 : i32 to index
      %get3A_388 = arith.constant 0 : index
      %get3A_389 = tpu.vector_load %arg6[%get3A_387, %get3A_388] {strides = array<i32>} : memref<200x64xf32, #tpu.memory_space<vmem>>, vector<1x16xf32>,
      %get3A_390 = vector.shape_cast %get3A_389 : vector<1x16xf32> to vector<16xf32>
      %add3A_391 = arith.addf %scan3A_349, %get3A_390 : vector<16xf32>
      %add3A_392 = arith.constant 1 : i32
      %add3A_393 = arith.addi %mul3A_357, %add3A_392 : i32
      %get3A_394 = arith.index_cast %add3A_393 : i32 to index
      %get3A_395 = arith.constant 16 : index
      %get3A_396 = tpu.vector_load %arg6[%get3A_394, %get3A_395] {strides = array<i32>} : memref<200x64xf32, #tpu.memory_space<vmem>>, vector<1x16xf32>,
      %get3A_397 = vector.shape_cast %get3A_396 : vector<1x16xf32> to vector<16xf32>
      %add3A_398 = arith.addf %scan3A_351, %get3A_397 : vector<16xf32>
      %add3A_399 = arith.constant 1 : i32
      %add3A_400 = arith.addi %mul3A_357, %add3A_399 : i32
      %get3A_401 = arith.index_cast %add3A_400 : i32 to index
      %get3A_402 = arith.constant 32 : index
      %get3A_403 = tpu.vector_load %arg6[%get3A_401, %get3A_402] {strides = array<i32>} : memref<200x64xf32, #tpu.memory_space<vmem>>, vector<1x16xf32>,
      %get3A_404 = vector.shape_cast %get3A_403 : vector<1x16xf32> to vector<16xf32>
      %add3A_405 = arith.addf %scan3A_353, %get3A_404 : vector<16xf32>
      %add3A_406 = arith.constant 1 : i32
      %add3A_407 = arith.addi %mul3A_357, %add3A_406 : i32
      %get3A_408 = arith.index_cast %add3A_407 : i32 to index
      %get3A_409 = arith.constant 48 : index
      %get3A_410 = tpu.vector_load %arg6[%get3A_408, %get3A_409] {strides = array<i32>} : memref<200x64xf32, #tpu.memory_space<vmem>>, vector<1x16xf32>,
      %get3A_411 = vector.shape_cast %get3A_410 : vector<1x16xf32> to vector<16xf32>
      %add3A_412 = arith.addf %scan3A_355, %get3A_411 : vector<16xf32>
      %add3A_413 = arith.constant 2 : i32
      %add3A_414 = arith.addi %mul3A_357, %add3A_413 : i32
      %get3A_415 = arith.index_cast %add3A_414 : i32 to index
      %get3A_416 = arith.constant 0 : index
      %get3A_417 = tpu.vector_load %arg6[%get3A_415, %get3A_416] {strides = array<i32>} : memref<200x64xf32, #tpu.memory_space<vmem>>, vector<1x16xf32>,
      %get3A_418 = vector.shape_cast %get3A_417 : vector<1x16xf32> to vector<16xf32>
      %add3A_419 = arith.addf %add3A_363, %get3A_418 : vector<16xf32>
      %add3A_420 = arith.constant 2 : i32
      %add3A_421 = arith.addi %mul3A_357, %add3A_420 : i32
      %get3A_422 = arith.index_cast %add3A_421 : i32 to index
      %get3A_423 = arith.constant 16 : index
      %get3A_424 = tpu.vector_load %arg6[%get3A_422, %get3A_423] {strides = array<i32>} : memref<200x64xf32, #tpu.memory_space<vmem>>, vector<1x16xf32>,
      %get3A_425 = vector.shape_cast %get3A_424 : vector<1x16xf32> to vector<16xf32>
      %add3A_426 = arith.addf %add3A_370, %get3A_425 : vector<16xf32>
      %add3A_427 = arith.constant 2 : i32
      %add3A_428 = arith.addi %mul3A_357, %add3A_427 : i32
      %get3A_429 = arith.index_cast %add3A_428 : i32 to index
      %get3A_430 = arith.constant 32 : index
      %get3A_431 = tpu.vector_load %arg6[%get3A_429, %get3A_430] {strides = array<i32>} : memref<200x64xf32, #tpu.memory_space<vmem>>, vector<1x16xf32>,
      %get3A_432 = vector.shape_cast %get3A_431 : vector<1x16xf32> to vector<16xf32>
      %add3A_433 = arith.addf %add3A_377, %get3A_432 : vector<16xf32>
      %add3A_434 = arith.constant 2 : i32
      %add3A_435 = arith.addi %mul3A_357, %add3A_434 : i32
      %get3A_436 = arith.index_cast %add3A_435 : i32 to index
      %get3A_437 = arith.constant 48 : index
      %get3A_438 = tpu.vector_load %arg6[%get3A_436, %get3A_437] {strides = array<i32>} : memref<200x64xf32, #tpu.memory_space<vmem>>, vector<1x16xf32>,
      %get3A_439 = vector.shape_cast %get3A_438 : vector<1x16xf32> to vector<16xf32>
      %add3A_440 = arith.addf %add3A_384, %get3A_439 : vector<16xf32>
      %add3A_441 = arith.constant 3 : i32
      %add3A_442 = arith.addi %mul3A_357, %add3A_441 : i32
      %get3A_443 = arith.index_cast %add3A_442 : i32 to index
      %get3A_444 = arith.constant 0 : index
      %get3A_445 = tpu.vector_load %arg6[%get3A_443, %get3A_444] {strides = array<i32>} : memref<200x64xf32, #tpu.memory_space<vmem>>, vector<1x16xf32>,
      %get3A_446 = vector.shape_cast %get3A_445 : vector<1x16xf32> to vector<16xf32>
      %add3A_447 = arith.addf %add3A_391, %get3A_446 : vector<16xf32>
      %add3A_448 = arith.constant 3 : i32
      %add3A_449 = arith.addi %mul3A_357, %add3A_448 : i32
      %get3A_450 = arith.index_cast %add3A_449 : i32 to index
      %get3A_451 = arith.constant 16 : index
      %get3A_452 = tpu.vector_load %arg6[%get3A_450, %get3A_451] {strides = array<i32>} : memref<200x64xf32, #tpu.memory_space<vmem>>, vector<1x16xf32>,
      %get3A_453 = vector.shape_cast %get3A_452 : vector<1x16xf32> to vector<16xf32>
      %add3A_454 = arith.addf %add3A_398, %get3A_453 : vector<16xf32>
      %add3A_455 = arith.constant 3 : i32
      %add3A_456 = arith.addi %mul3A_357, %add3A_455 : i32
      %get3A_457 = arith.index_cast %add3A_456 : i32 to index
      %get3A_458 = arith.constant 32 : index
      %get3A_459 = tpu.vector_load %arg6[%get3A_457, %get3A_458] {strides = array<i32>} : memref<200x64xf32, #tpu.memory_space<vmem>>, vector<1x16xf32>,
      %get3A_460 = vector.shape_cast %get3A_459 : vector<1x16xf32> to vector<16xf32>
      %add3A_461 = arith.addf %add3A_405, %get3A_460 : vector<16xf32>
      %add3A_462 = arith.constant 3 : i32
      %add3A_463 = arith.addi %mul3A_357, %add3A_462 : i32
      %get3A_464 = arith.index_cast %add3A_463 : i32 to index
      %get3A_465 = arith.constant 48 : index
      %get3A_466 = tpu.vector_load %arg6[%get3A_464, %get3A_465] {strides = array<i32>} : memref<200x64xf32, #tpu.memory_space<vmem>>, vector<1x16xf32>,
      %get3A_467 = vector.shape_cast %get3A_466 : vector<1x16xf32> to vector<16xf32>
      %add3A_468 = arith.addf %add3A_412, %get3A_467 : vector<16xf32>
      scf.yield %add3A_419, %add3A_447, %add3A_426, %add3A_454, %add3A_433, %add3A_461, %add3A_440, %add3A_468 : vector<16xf32>, vector<16xf32>, vector<16xf32>, vector<16xf32>, vector<16xf32>, vector<16xf32>, vector<16xf32>, vector<16xf32>
    }
    %scan3A_79 = arith.constant 50 : i32
    %add3A_80 = arith.addf %scan3A_78#0, %scan3A_78#1 : vector<16xf32>
    %swap3A = arith.constant 123 : i32
    %swap3A_81 = arith.index_cast %swap3A : i32 to index
    %swap3A_82 = arith.constant 0 : index
    %swap3A_83 = tpu.vector_load %arg9[%swap3A_81, %swap3A_82] {strides = array<i32>} : memref<128x64xf32, #tpu.memory_space<vmem>>, vector<1x16xf32>,
    %swap3A_84 = vector.shape_cast %swap3A_83 : vector<1x16xf32> to vector<16xf32>
    %swap3A_85 = vector.shape_cast %add3A_80 : vector<16xf32> to vector<1x16xf32>
    tpu.vector_store %arg9[%swap3A_81, %swap3A_82], %swap3A_85 {strides = array<i32>} : memref<128x64xf32, #tpu.memory_space<vmem>>, vector<1x16xf32>,
    %add3A_86 = arith.addf %scan3A_78#2, %scan3A_78#3 : vector<16xf32>
    %swap3A_87 = arith.constant 123 : i32
    %swap3A_88 = arith.index_cast %swap3A_87 : i32 to index
    %swap3A_89 = arith.constant 16 : index
    %swap3A_90 = tpu.vector_load %arg9[%swap3A_88, %swap3A_89] {strides = array<i32>} : memref<128x64xf32, #tpu.memory_space<vmem>>, vector<1x16xf32>,
    %swap3A_91 = vector.shape_cast %swap3A_90 : vector<1x16xf32> to vector<16xf32>
    %swap3A_92 = vector.shape_cast %add3A_86 : vector<16xf32> to vector<1x16xf32>
    tpu.vector_store %arg9[%swap3A_88, %swap3A_89], %swap3A_92 {strides = array<i32>} : memref<128x64xf32, #tpu.memory_space<vmem>>, vector<1x16xf32>,
    %add3A_93 = arith.addf %scan3A_78#4, %scan3A_78#5 : vector<16xf32>
    %swap3A_94 = arith.constant 123 : i32
    %swap3A_95 = arith.index_cast %swap3A_94 : i32 to index
    %swap3A_96 = arith.constant 32 : index
    %swap3A_97 = tpu.vector_load %arg9[%swap3A_95, %swap3A_96] {strides = array<i32>} : memref<128x64xf32, #tpu.memory_space<vmem>>, vector<1x16xf32>,
    %swap3A_98 = vector.shape_cast %swap3A_97 : vector<1x16xf32> to vector<16xf32>
    %swap3A_99 = vector.shape_cast %add3A_93 : vector<16xf32> to vector<1x16xf32>
    tpu.vector_store %arg9[%swap3A_95, %swap3A_96], %swap3A_99 {strides = array<i32>} : memref<128x64xf32, #tpu.memory_space<vmem>>, vector<1x16xf32>,
    %add3A_100 = arith.addf %scan3A_78#6, %scan3A_78#7 : vector<16xf32>
    %swap3A_101 = arith.constant 123 : i32
    %swap3A_102 = arith.index_cast %swap3A_101 : i32 to index
    %swap3A_103 = arith.constant 48 : index
    %swap3A_104 = tpu.vector_load %arg9[%swap3A_102, %swap3A_103] {strides = array<i32>} : memref<128x64xf32, #tpu.memory_space<vmem>>, vector<1x16xf32>,
    %swap3A_105 = vector.shape_cast %swap3A_104 : vector<1x16xf32> to vector<16xf32>
    %swap3A_106 = vector.shape_cast %add3A_100 : vector<16xf32> to vector<1x16xf32>
    tpu.vector_store %arg9[%swap3A_102, %swap3A_103], %swap3A_106 {strides = array<i32>} : memref<128x64xf32, #tpu.memory_space<vmem>>, vector<1x16xf32>,
    %dma_start3A_107 = arith.constant 0 : i32
    %dma_start3A_108 = arith.constant 0 : i32
    %dma_start3A_109 = tpu.memref_slice %arg6[%dma_start3A_107, %dma_start3A_108] : memref<200x64xf32, #tpu.memory_space<vmem>> -> memref<128x64xf32, #tpu.memory_space<vmem>>
    %dma_start3A_110 = arith.constant 25200 : i32
    %dma_start3A_111 = tpu.memref_slice %arg5[%dma_start3A_110] : memref<25600xi32, #tpu.memory_space<vmem>> -> memref<128xi32, #tpu.memory_space<vmem>>
    %dma_start3A_112 = arith.constant 0 : i32
    %dma_start3A_113 = arith.constant 0 : i32
    %dma_start3A_114 = tpu.memref_slice %arg3[%dma_start3A_112, %dma_start3A_113] : memref<1000000x64xf32, #tpu.memory_space<hbm>> -> memref<1000000x64xf32, #tpu.memory_space<hbm>>
    tpu.enqueue_indirect_dma source(%dma_start3A_114 : memref<1000000x64xf32, #tpu.memory_space<hbm>>) target(%dma_start3A_109 : memref<128x64xf32, #tpu.memory_space<vmem>>) offsets(%dma_start3A_111 : memref<128xi32, #tpu.memory_space<vmem>>) semaphore(%arg10 : memref<!tpu.dma_semaphore, #tpu.memory_space<semaphore_mem>>)
    %dma_start3A_115 = arith.constant 128 : i32
    %dma_start3A_116 = arith.constant 0 : i32
    %dma_start3A_117 = tpu.memref_slice %arg6[%dma_start3A_115, %dma_start3A_116] : memref<200x64xf32, #tpu.memory_space<vmem>> -> memref<72x64xf32, #tpu.memory_space<vmem>>
    %dma_start3A_118 = arith.constant 25328 : i32
    %dma_start3A_119 = tpu.memref_slice %arg5[%dma_start3A_118] : memref<25600xi32, #tpu.memory_space<vmem>> -> memref<72xi32, #tpu.memory_space<vmem>>
    %dma_start3A_120 = arith.constant 0 : i32
    %dma_start3A_121 = arith.constant 0 : i32
    %dma_start3A_122 = tpu.memref_slice %arg3[%dma_start3A_120, %dma_start3A_121] : memref<1000000x64xf32, #tpu.memory_space<hbm>> -> memref<1000000x64xf32, #tpu.memory_space<hbm>>
    tpu.enqueue_indirect_dma source(%dma_start3A_122 : memref<1000000x64xf32, #tpu.memory_space<hbm>>) target(%dma_start3A_117 : memref<72x64xf32, #tpu.memory_space<vmem>>) offsets(%dma_start3A_119 : memref<72xi32, #tpu.memory_space<vmem>>) semaphore(%arg10 : memref<!tpu.dma_semaphore, #tpu.memory_space<semaphore_mem>>)
    %dma_wait3A_123 = arith.constant 0 : i32
    %dma_wait3A_124 = arith.constant 0 : i32
    %dma_wait3A_125 = tpu.memref_slice %arg7[%dma_wait3A_123, %dma_wait3A_124] : memref<200x64xf32, #tpu.memory_space<vmem>> -> memref<128x64xf32, #tpu.memory_space<vmem>>
    %dma_wait3A_126 = arith.constant 24800 : i32
    %dma_wait3A_127 = tpu.memref_slice %arg5[%dma_wait3A_126] : memref<25600xi32, #tpu.memory_space<vmem>> -> memref<128xi32, #tpu.memory_space<vmem>>
    %dma_wait3A_128 = arith.constant 0 : i32
    %dma_wait3A_129 = arith.constant 0 : i32
    %dma_wait3A_130 = tpu.memref_slice %arg3[%dma_wait3A_128, %dma_wait3A_129] : memref<1000000x64xf32, #tpu.memory_space<hbm>> -> memref<1000000x64xf32, #tpu.memory_space<hbm>>
    tpu.wait_indirect_dma semaphore(%arg11 : memref<!tpu.dma_semaphore, #tpu.memory_space<semaphore_mem>>) src(%dma_wait3A_130 : memref<1000000x64xf32, #tpu.memory_space<hbm>>) dst(%dma_wait3A_125 : memref<128x64xf32, #tpu.memory_space<vmem>>)
    %dma_wait3A_131 = arith.constant 128 : i32
    %dma_wait3A_132 = arith.constant 0 : i32
    %dma_wait3A_133 = tpu.memref_slice %arg7[%dma_wait3A_131, %dma_wait3A_132] : memref<200x64xf32, #tpu.memory_space<vmem>> -> memref<72x64xf32, #tpu.memory_space<vmem>>
    %dma_wait3A_134 = arith.constant 24928 : i32
    %dma_wait3A_135 = tpu.memref_slice %arg5[%dma_wait3A_134] : memref<25600xi32, #tpu.memory_space<vmem>> -> memref<72xi32, #tpu.memory_space<vmem>>
    %dma_wait3A_136 = arith.constant 0 : i32
    %dma_wait3A_137 = arith.constant 0 : i32
    %dma_wait3A_138 = tpu.memref_slice %arg3[%dma_wait3A_136, %dma_wait3A_137] : memref<1000000x64xf32, #tpu.memory_space<hbm>> -> memref<1000000x64xf32, #tpu.memory_space<hbm>>
    tpu.wait_indirect_dma semaphore(%arg11 : memref<!tpu.dma_semaphore, #tpu.memory_space<semaphore_mem>>) src(%dma_wait3A_138 : memref<1000000x64xf32, #tpu.memory_space<hbm>>) dst(%dma_wait3A_133 : memref<72x64xf32, #tpu.memory_space<vmem>>)
    %broadcast_in_dim3A_139 = arith.constant 0.000000e+00 : f32
    %broadcast_in_dim3A_140 = vector.broadcast %broadcast_in_dim3A_139 : f32 to vector<16xf32>
    %scan3A_141 = arith.constant 0 : i32
    %scan3A_142 = arith.constant 50 : i32
    %scan3A_143 = arith.addi %scan3A_141, %scan3A_142 : i32
    %scan3A_144 = arith.constant 1 : i32
    %scan3A_145:8 = scf.for %scan3A_347 = %scan3A_141 to %scan3A_143 step %scan3A_144 iter_args(%scan3A_348 = %broadcast_in_dim3A_140, %scan3A_349 = %broadcast_in_dim3A_140, %scan3A_350 = %broadcast_in_dim3A_140, %scan3A_351 = %broadcast_in_dim3A_140, %scan3A_352 = %broadcast_in_dim3A_140, %scan3A_353 = %broadcast_in_dim3A_140, %scan3A_354 = %broadcast_in_dim3A_140, %scan3A_355 = %broadcast_in_dim3A_140) -> (vector<16xf32>, vector<16xf32>, vector<16xf32>, vector<16xf32>, vector<16xf32>, vector<16xf32>, vector<16xf32>, vector<16xf32>)  : i32 {
      %mul3A_356 = arith.constant 4 : i32
      %mul3A_357 = arith.muli %scan3A_347, %mul3A_356 : i32
      %add3A_358 = arith.constant 0 : i32
      %add3A_359 = arith.addi %mul3A_357, %add3A_358 : i32
      %get3A = arith.index_cast %add3A_359 : i32 to index
      %get3A_360 = arith.constant 0 : index
      %get3A_361 = tpu.vector_load %arg7[%get3A, %get3A_360] {strides = array<i32>} : memref<200x64xf32, #tpu.memory_space<vmem>>, vector<1x16xf32>,
      %get3A_362 = vector.shape_cast %get3A_361 : vector<1x16xf32> to vector<16xf32>
      %add3A_363 = arith.addf %scan3A_348, %get3A_362 : vector<16xf32>
      %add3A_364 = arith.constant 0 : i32
      %add3A_365 = arith.addi %mul3A_357, %add3A_364 : i32
      %get3A_366 = arith.index_cast %add3A_365 : i32 to index
      %get3A_367 = arith.constant 16 : index
      %get3A_368 = tpu.vector_load %arg7[%get3A_366, %get3A_367] {strides = array<i32>} : memref<200x64xf32, #tpu.memory_space<vmem>>, vector<1x16xf32>,
      %get3A_369 = vector.shape_cast %get3A_368 : vector<1x16xf32> to vector<16xf32>
      %add3A_370 = arith.addf %scan3A_350, %get3A_369 : vector<16xf32>
      %add3A_371 = arith.constant 0 : i32
      %add3A_372 = arith.addi %mul3A_357, %add3A_371 : i32
      %get3A_373 = arith.index_cast %add3A_372 : i32 to index
      %get3A_374 = arith.constant 32 : index
      %get3A_375 = tpu.vector_load %arg7[%get3A_373, %get3A_374] {strides = array<i32>} : memref<200x64xf32, #tpu.memory_space<vmem>>, vector<1x16xf32>,
      %get3A_376 = vector.shape_cast %get3A_375 : vector<1x16xf32> to vector<16xf32>
      %add3A_377 = arith.addf %scan3A_352, %get3A_376 : vector<16xf32>
      %add3A_378 = arith.constant 0 : i32
      %add3A_379 = arith.addi %mul3A_357, %add3A_378 : i32
      %get3A_380 = arith.index_cast %add3A_379 : i32 to index
      %get3A_381 = arith.constant 48 : index
      %get3A_382 = tpu.vector_load %arg7[%get3A_380, %get3A_381] {strides = array<i32>} : memref<200x64xf32, #tpu.memory_space<vmem>>, vector<1x16xf32>,
      %get3A_383 = vector.shape_cast %get3A_382 : vector<1x16xf32> to vector<16xf32>
      %add3A_384 = arith.addf %scan3A_354, %get3A_383 : vector<16xf32>
      %add3A_385 = arith.constant 1 : i32
      %add3A_386 = arith.addi %mul3A_357, %add3A_385 : i32
      %get3A_387 = arith.index_cast %add3A_386 : i32 to index
      %get3A_388 = arith.constant 0 : index
      %get3A_389 = tpu.vector_load %arg7[%get3A_387, %get3A_388] {strides = array<i32>} : memref<200x64xf32, #tpu.memory_space<vmem>>, vector<1x16xf32>,
      %get3A_390 = vector.shape_cast %get3A_389 : vector<1x16xf32> to vector<16xf32>
      %add3A_391 = arith.addf %scan3A_349, %get3A_390 : vector<16xf32>
      %add3A_392 = arith.constant 1 : i32
      %add3A_393 = arith.addi %mul3A_357, %add3A_392 : i32
      %get3A_394 = arith.index_cast %add3A_393 : i32 to index
      %get3A_395 = arith.constant 16 : index
      %get3A_396 = tpu.vector_load %arg7[%get3A_394, %get3A_395] {strides = array<i32>} : memref<200x64xf32, #tpu.memory_space<vmem>>, vector<1x16xf32>,
      %get3A_397 = vector.shape_cast %get3A_396 : vector<1x16xf32> to vector<16xf32>
      %add3A_398 = arith.addf %scan3A_351, %get3A_397 : vector<16xf32>
      %add3A_399 = arith.constant 1 : i32
      %add3A_400 = arith.addi %mul3A_357, %add3A_399 : i32
      %get3A_401 = arith.index_cast %add3A_400 : i32 to index
      %get3A_402 = arith.constant 32 : index
      %get3A_403 = tpu.vector_load %arg7[%get3A_401, %get3A_402] {strides = array<i32>} : memref<200x64xf32, #tpu.memory_space<vmem>>, vector<1x16xf32>,
      %get3A_404 = vector.shape_cast %get3A_403 : vector<1x16xf32> to vector<16xf32>
      %add3A_405 = arith.addf %scan3A_353, %get3A_404 : vector<16xf32>
      %add3A_406 = arith.constant 1 : i32
      %add3A_407 = arith.addi %mul3A_357, %add3A_406 : i32
      %get3A_408 = arith.index_cast %add3A_407 : i32 to index
      %get3A_409 = arith.constant 48 : index
      %get3A_410 = tpu.vector_load %arg7[%get3A_408, %get3A_409] {strides = array<i32>} : memref<200x64xf32, #tpu.memory_space<vmem>>, vector<1x16xf32>,
      %get3A_411 = vector.shape_cast %get3A_410 : vector<1x16xf32> to vector<16xf32>
      %add3A_412 = arith.addf %scan3A_355, %get3A_411 : vector<16xf32>
      %add3A_413 = arith.constant 2 : i32
      %add3A_414 = arith.addi %mul3A_357, %add3A_413 : i32
      %get3A_415 = arith.index_cast %add3A_414 : i32 to index
      %get3A_416 = arith.constant 0 : index
      %get3A_417 = tpu.vector_load %arg7[%get3A_415, %get3A_416] {strides = array<i32>} : memref<200x64xf32, #tpu.memory_space<vmem>>, vector<1x16xf32>,
      %get3A_418 = vector.shape_cast %get3A_417 : vector<1x16xf32> to vector<16xf32>
      %add3A_419 = arith.addf %add3A_363, %get3A_418 : vector<16xf32>
      %add3A_420 = arith.constant 2 : i32
      %add3A_421 = arith.addi %mul3A_357, %add3A_420 : i32
      %get3A_422 = arith.index_cast %add3A_421 : i32 to index
      %get3A_423 = arith.constant 16 : index
      %get3A_424 = tpu.vector_load %arg7[%get3A_422, %get3A_423] {strides = array<i32>} : memref<200x64xf32, #tpu.memory_space<vmem>>, vector<1x16xf32>,
      %get3A_425 = vector.shape_cast %get3A_424 : vector<1x16xf32> to vector<16xf32>
      %add3A_426 = arith.addf %add3A_370, %get3A_425 : vector<16xf32>
      %add3A_427 = arith.constant 2 : i32
      %add3A_428 = arith.addi %mul3A_357, %add3A_427 : i32
      %get3A_429 = arith.index_cast %add3A_428 : i32 to index
      %get3A_430 = arith.constant 32 : index
      %get3A_431 = tpu.vector_load %arg7[%get3A_429, %get3A_430] {strides = array<i32>} : memref<200x64xf32, #tpu.memory_space<vmem>>, vector<1x16xf32>,
      %get3A_432 = vector.shape_cast %get3A_431 : vector<1x16xf32> to vector<16xf32>
      %add3A_433 = arith.addf %add3A_377, %get3A_432 : vector<16xf32>
      %add3A_434 = arith.constant 2 : i32
      %add3A_435 = arith.addi %mul3A_357, %add3A_434 : i32
      %get3A_436 = arith.index_cast %add3A_435 : i32 to index
      %get3A_437 = arith.constant 48 : index
      %get3A_438 = tpu.vector_load %arg7[%get3A_436, %get3A_437] {strides = array<i32>} : memref<200x64xf32, #tpu.memory_space<vmem>>, vector<1x16xf32>,
      %get3A_439 = vector.shape_cast %get3A_438 : vector<1x16xf32> to vector<16xf32>
      %add3A_440 = arith.addf %add3A_384, %get3A_439 : vector<16xf32>
      %add3A_441 = arith.constant 3 : i32
      %add3A_442 = arith.addi %mul3A_357, %add3A_441 : i32
      %get3A_443 = arith.index_cast %add3A_442 : i32 to index
      %get3A_444 = arith.constant 0 : index
      %get3A_445 = tpu.vector_load %arg7[%get3A_443, %get3A_444] {strides = array<i32>} : memref<200x64xf32, #tpu.memory_space<vmem>>, vector<1x16xf32>,
      %get3A_446 = vector.shape_cast %get3A_445 : vector<1x16xf32> to vector<16xf32>
      %add3A_447 = arith.addf %add3A_391, %get3A_446 : vector<16xf32>
      %add3A_448 = arith.constant 3 : i32
      %add3A_449 = arith.addi %mul3A_357, %add3A_448 : i32
      %get3A_450 = arith.index_cast %add3A_449 : i32 to index
      %get3A_451 = arith.constant 16 : index
      %get3A_452 = tpu.vector_load %arg7[%get3A_450, %get3A_451] {strides = array<i32>} : memref<200x64xf32, #tpu.memory_space<vmem>>, vector<1x16xf32>,
      %get3A_453 = vector.shape_cast %get3A_452 : vector<1x16xf32> to vector<16xf32>
      %add3A_454 = arith.addf %add3A_398, %get3A_453 : vector<16xf32>
      %add3A_455 = arith.constant 3 : i32
      %add3A_456 = arith.addi %mul3A_357, %add3A_455 : i32
      %get3A_457 = arith.index_cast %add3A_456 : i32 to index
      %get3A_458 = arith.constant 32 : index
      %get3A_459 = tpu.vector_load %arg7[%get3A_457, %get3A_458] {strides = array<i32>} : memref<200x64xf32, #tpu.memory_space<vmem>>, vector<1x16xf32>,
      %get3A_460 = vector.shape_cast %get3A_459 : vector<1x16xf32> to vector<16xf32>
      %add3A_461 = arith.addf %add3A_405, %get3A_460 : vector<16xf32>
      %add3A_462 = arith.constant 3 : i32
      %add3A_463 = arith.addi %mul3A_357, %add3A_462 : i32
      %get3A_464 = arith.index_cast %add3A_463 : i32 to index
      %get3A_465 = arith.constant 48 : index
      %get3A_466 = tpu.vector_load %arg7[%get3A_464, %get3A_465] {strides = array<i32>} : memref<200x64xf32, #tpu.memory_space<vmem>>, vector<1x16xf32>,
      %get3A_467 = vector.shape_cast %get3A_466 : vector<1x16xf32> to vector<16xf32>
      %add3A_468 = arith.addf %add3A_412, %get3A_467 : vector<16xf32>
      scf.yield %add3A_419, %add3A_447, %add3A_426, %add3A_454, %add3A_433, %add3A_461, %add3A_440, %add3A_468 : vector<16xf32>, vector<16xf32>, vector<16xf32>, vector<16xf32>, vector<16xf32>, vector<16xf32>, vector<16xf32>, vector<16xf32>
    }
    %scan3A_146 = arith.constant 50 : i32
    %add3A_147 = arith.addf %scan3A_145#0, %scan3A_145#1 : vector<16xf32>
    %swap3A_148 = arith.constant 124 : i32
    %swap3A_149 = arith.index_cast %swap3A_148 : i32 to index
    %swap3A_150 = arith.constant 0 : index
    %swap3A_151 = tpu.vector_load %arg9[%swap3A_149, %swap3A_150] {strides = array<i32>} : memref<128x64xf32, #tpu.memory_space<vmem>>, vector<1x16xf32>,
    %swap3A_152 = vector.shape_cast %swap3A_151 : vector<1x16xf32> to vector<16xf32>
    %swap3A_153 = vector.shape_cast %add3A_147 : vector<16xf32> to vector<1x16xf32>
    tpu.vector_store %arg9[%swap3A_149, %swap3A_150], %swap3A_153 {strides = array<i32>} : memref<128x64xf32, #tpu.memory_space<vmem>>, vector<1x16xf32>,
    %add3A_154 = arith.addf %scan3A_145#2, %scan3A_145#3 : vector<16xf32>
    %swap3A_155 = arith.constant 124 : i32
    %swap3A_156 = arith.index_cast %swap3A_155 : i32 to index
    %swap3A_157 = arith.constant 16 : index
    %swap3A_158 = tpu.vector_load %arg9[%swap3A_156, %swap3A_157] {strides = array<i32>} : memref<128x64xf32, #tpu.memory_space<vmem>>, vector<1x16xf32>,
    %swap3A_159 = vector.shape_cast %swap3A_158 : vector<1x16xf32> to vector<16xf32>
    %swap3A_160 = vector.shape_cast %add3A_154 : vector<16xf32> to vector<1x16xf32>
    tpu.vector_store %arg9[%swap3A_156, %swap3A_157], %swap3A_160 {strides = array<i32>} : memref<128x64xf32, #tpu.memory_space<vmem>>, vector<1x16xf32>,
    %add3A_161 = arith.addf %scan3A_145#4, %scan3A_145#5 : vector<16xf32>
    %swap3A_162 = arith.constant 124 : i32
    %swap3A_163 = arith.index_cast %swap3A_162 : i32 to index
    %swap3A_164 = arith.constant 32 : index
    %swap3A_165 = tpu.vector_load %arg9[%swap3A_163, %swap3A_164] {strides = array<i32>} : memref<128x64xf32, #tpu.memory_space<vmem>>, vector<1x16xf32>,
    %swap3A_166 = vector.shape_cast %swap3A_165 : vector<1x16xf32> to vector<16xf32>
    %swap3A_167 = vector.shape_cast %add3A_161 : vector<16xf32> to vector<1x16xf32>
    tpu.vector_store %arg9[%swap3A_163, %swap3A_164], %swap3A_167 {strides = array<i32>} : memref<128x64xf32, #tpu.memory_space<vmem>>, vector<1x16xf32>,
    %add3A_168 = arith.addf %scan3A_145#6, %scan3A_145#7 : vector<16xf32>
    %swap3A_169 = arith.constant 124 : i32
    %swap3A_170 = arith.index_cast %swap3A_169 : i32 to index
    %swap3A_171 = arith.constant 48 : index
    %swap3A_172 = tpu.vector_load %arg9[%swap3A_170, %swap3A_171] {strides = array<i32>} : memref<128x64xf32, #tpu.memory_space<vmem>>, vector<1x16xf32>,
    %swap3A_173 = vector.shape_cast %swap3A_172 : vector<1x16xf32> to vector<16xf32>
    %swap3A_174 = vector.shape_cast %add3A_168 : vector<16xf32> to vector<1x16xf32>
    tpu.vector_store %arg9[%swap3A_170, %swap3A_171], %swap3A_174 {strides = array<i32>} : memref<128x64xf32, #tpu.memory_space<vmem>>, vector<1x16xf32>,
    %dma_start3A_175 = arith.constant 0 : i32
    %dma_start3A_176 = arith.constant 0 : i32
    %dma_start3A_177 = tpu.memref_slice %arg7[%dma_start3A_175, %dma_start3A_176] : memref<200x64xf32, #tpu.memory_space<vmem>> -> memref<128x64xf32, #tpu.memory_space<vmem>>
    %dma_start3A_178 = arith.constant 25400 : i32
    %dma_start3A_179 = tpu.memref_slice %arg5[%dma_start3A_178] : memref<25600xi32, #tpu.memory_space<vmem>> -> memref<128xi32, #tpu.memory_space<vmem>>
    %dma_start3A_180 = arith.constant 0 : i32
    %dma_start3A_181 = arith.constant 0 : i32
    %dma_start3A_182 = tpu.memref_slice %arg3[%dma_start3A_180, %dma_start3A_181] : memref<1000000x64xf32, #tpu.memory_space<hbm>> -> memref<1000000x64xf32, #tpu.memory_space<hbm>>
    tpu.enqueue_indirect_dma source(%dma_start3A_182 : memref<1000000x64xf32, #tpu.memory_space<hbm>>) target(%dma_start3A_177 : memref<128x64xf32, #tpu.memory_space<vmem>>) offsets(%dma_start3A_179 : memref<128xi32, #tpu.memory_space<vmem>>) semaphore(%arg11 : memref<!tpu.dma_semaphore, #tpu.memory_space<semaphore_mem>>)
    %dma_start3A_183 = arith.constant 128 : i32
    %dma_start3A_184 = arith.constant 0 : i32
    %dma_start3A_185 = tpu.memref_slice %arg7[%dma_start3A_183, %dma_start3A_184] : memref<200x64xf32, #tpu.memory_space<vmem>> -> memref<72x64xf32, #tpu.memory_space<vmem>>
    %dma_start3A_186 = arith.constant 25528 : i32
    %dma_start3A_187 = tpu.memref_slice %arg5[%dma_start3A_186] : memref<25600xi32, #tpu.memory_space<vmem>> -> memref<72xi32, #tpu.memory_space<vmem>>
    %dma_start3A_188 = arith.constant 0 : i32
    %dma_start3A_189 = arith.constant 0 : i32
    %dma_start3A_190 = tpu.memref_slice %arg3[%dma_start3A_188, %dma_start3A_189] : memref<1000000x64xf32, #tpu.memory_space<hbm>> -> memref<1000000x64xf32, #tpu.memory_space<hbm>>
    tpu.enqueue_indirect_dma source(%dma_start3A_190 : memref<1000000x64xf32, #tpu.memory_space<hbm>>) target(%dma_start3A_185 : memref<72x64xf32, #tpu.memory_space<vmem>>) offsets(%dma_start3A_187 : memref<72xi32, #tpu.memory_space<vmem>>) semaphore(%arg11 : memref<!tpu.dma_semaphore, #tpu.memory_space<semaphore_mem>>)
    %dma_wait3A_191 = arith.constant 0 : i32
    %dma_wait3A_192 = arith.constant 0 : i32
    %dma_wait3A_193 = tpu.memref_slice %arg8[%dma_wait3A_191, %dma_wait3A_192] : memref<200x64xf32, #tpu.memory_space<vmem>> -> memref<128x64xf32, #tpu.memory_space<vmem>>
    %dma_wait3A_194 = arith.constant 25000 : i32
    %dma_wait3A_195 = tpu.memref_slice %arg5[%dma_wait3A_194] : memref<25600xi32, #tpu.memory_space<vmem>> -> memref<128xi32, #tpu.memory_space<vmem>>
    %dma_wait3A_196 = arith.constant 0 : i32
    %dma_wait3A_197 = arith.constant 0 : i32
    %dma_wait3A_198 = tpu.memref_slice %arg3[%dma_wait3A_196, %dma_wait3A_197] : memref<1000000x64xf32, #tpu.memory_space<hbm>> -> memref<1000000x64xf32, #tpu.memory_space<hbm>>
    tpu.wait_indirect_dma semaphore(%arg12 : memref<!tpu.dma_semaphore, #tpu.memory_space<semaphore_mem>>) src(%dma_wait3A_198 : memref<1000000x64xf32, #tpu.memory_space<hbm>>) dst(%dma_wait3A_193 : memref<128x64xf32, #tpu.memory_space<vmem>>)
    %dma_wait3A_199 = arith.constant 128 : i32
    %dma_wait3A_200 = arith.constant 0 : i32
    %dma_wait3A_201 = tpu.memref_slice %arg8[%dma_wait3A_199, %dma_wait3A_200] : memref<200x64xf32, #tpu.memory_space<vmem>> -> memref<72x64xf32, #tpu.memory_space<vmem>>
    %dma_wait3A_202 = arith.constant 25128 : i32
    %dma_wait3A_203 = tpu.memref_slice %arg5[%dma_wait3A_202] : memref<25600xi32, #tpu.memory_space<vmem>> -> memref<72xi32, #tpu.memory_space<vmem>>
    %dma_wait3A_204 = arith.constant 0 : i32
    %dma_wait3A_205 = arith.constant 0 : i32
    %dma_wait3A_206 = tpu.memref_slice %arg3[%dma_wait3A_204, %dma_wait3A_205] : memref<1000000x64xf32, #tpu.memory_space<hbm>> -> memref<1000000x64xf32, #tpu.memory_space<hbm>>
    tpu.wait_indirect_dma semaphore(%arg12 : memref<!tpu.dma_semaphore, #tpu.memory_space<semaphore_mem>>) src(%dma_wait3A_206 : memref<1000000x64xf32, #tpu.memory_space<hbm>>) dst(%dma_wait3A_201 : memref<72x64xf32, #tpu.memory_space<vmem>>)
    %broadcast_in_dim3A_207 = arith.constant 0.000000e+00 : f32
    %broadcast_in_dim3A_208 = vector.broadcast %broadcast_in_dim3A_207 : f32 to vector<16xf32>
    %scan3A_209 = arith.constant 0 : i32
    %scan3A_210 = arith.constant 50 : i32
    %scan3A_211 = arith.addi %scan3A_209, %scan3A_210 : i32
    %scan3A_212 = arith.constant 1 : i32
    %scan3A_213:8 = scf.for %scan3A_347 = %scan3A_209 to %scan3A_211 step %scan3A_212 iter_args(%scan3A_348 = %broadcast_in_dim3A_208, %scan3A_349 = %broadcast_in_dim3A_208, %scan3A_350 = %broadcast_in_dim3A_208, %scan3A_351 = %broadcast_in_dim3A_208, %scan3A_352 = %broadcast_in_dim3A_208, %scan3A_353 = %broadcast_in_dim3A_208, %scan3A_354 = %broadcast_in_dim3A_208, %scan3A_355 = %broadcast_in_dim3A_208) -> (vector<16xf32>, vector<16xf32>, vector<16xf32>, vector<16xf32>, vector<16xf32>, vector<16xf32>, vector<16xf32>, vector<16xf32>)  : i32 {
      %mul3A_356 = arith.constant 4 : i32
      %mul3A_357 = arith.muli %scan3A_347, %mul3A_356 : i32
      %add3A_358 = arith.constant 0 : i32
      %add3A_359 = arith.addi %mul3A_357, %add3A_358 : i32
      %get3A = arith.index_cast %add3A_359 : i32 to index
      %get3A_360 = arith.constant 0 : index
      %get3A_361 = tpu.vector_load %arg8[%get3A, %get3A_360] {strides = array<i32>} : memref<200x64xf32, #tpu.memory_space<vmem>>, vector<1x16xf32>,
      %get3A_362 = vector.shape_cast %get3A_361 : vector<1x16xf32> to vector<16xf32>
      %add3A_363 = arith.addf %scan3A_348, %get3A_362 : vector<16xf32>
      %add3A_364 = arith.constant 0 : i32
      %add3A_365 = arith.addi %mul3A_357, %add3A_364 : i32
      %get3A_366 = arith.index_cast %add3A_365 : i32 to index
      %get3A_367 = arith.constant 16 : index
      %get3A_368 = tpu.vector_load %arg8[%get3A_366, %get3A_367] {strides = array<i32>} : memref<200x64xf32, #tpu.memory_space<vmem>>, vector<1x16xf32>,
      %get3A_369 = vector.shape_cast %get3A_368 : vector<1x16xf32> to vector<16xf32>
      %add3A_370 = arith.addf %scan3A_350, %get3A_369 : vector<16xf32>
      %add3A_371 = arith.constant 0 : i32
      %add3A_372 = arith.addi %mul3A_357, %add3A_371 : i32
      %get3A_373 = arith.index_cast %add3A_372 : i32 to index
      %get3A_374 = arith.constant 32 : index
      %get3A_375 = tpu.vector_load %arg8[%get3A_373, %get3A_374] {strides = array<i32>} : memref<200x64xf32, #tpu.memory_space<vmem>>, vector<1x16xf32>,
      %get3A_376 = vector.shape_cast %get3A_375 : vector<1x16xf32> to vector<16xf32>
      %add3A_377 = arith.addf %scan3A_352, %get3A_376 : vector<16xf32>
      %add3A_378 = arith.constant 0 : i32
      %add3A_379 = arith.addi %mul3A_357, %add3A_378 : i32
      %get3A_380 = arith.index_cast %add3A_379 : i32 to index
      %get3A_381 = arith.constant 48 : index
      %get3A_382 = tpu.vector_load %arg8[%get3A_380, %get3A_381] {strides = array<i32>} : memref<200x64xf32, #tpu.memory_space<vmem>>, vector<1x16xf32>,
      %get3A_383 = vector.shape_cast %get3A_382 : vector<1x16xf32> to vector<16xf32>
      %add3A_384 = arith.addf %scan3A_354, %get3A_383 : vector<16xf32>
      %add3A_385 = arith.constant 1 : i32
      %add3A_386 = arith.addi %mul3A_357, %add3A_385 : i32
      %get3A_387 = arith.index_cast %add3A_386 : i32 to index
      %get3A_388 = arith.constant 0 : index
      %get3A_389 = tpu.vector_load %arg8[%get3A_387, %get3A_388] {strides = array<i32>} : memref<200x64xf32, #tpu.memory_space<vmem>>, vector<1x16xf32>,
      %get3A_390 = vector.shape_cast %get3A_389 : vector<1x16xf32> to vector<16xf32>
      %add3A_391 = arith.addf %scan3A_349, %get3A_390 : vector<16xf32>
      %add3A_392 = arith.constant 1 : i32
      %add3A_393 = arith.addi %mul3A_357, %add3A_392 : i32
      %get3A_394 = arith.index_cast %add3A_393 : i32 to index
      %get3A_395 = arith.constant 16 : index
      %get3A_396 = tpu.vector_load %arg8[%get3A_394, %get3A_395] {strides = array<i32>} : memref<200x64xf32, #tpu.memory_space<vmem>>, vector<1x16xf32>,
      %get3A_397 = vector.shape_cast %get3A_396 : vector<1x16xf32> to vector<16xf32>
      %add3A_398 = arith.addf %scan3A_351, %get3A_397 : vector<16xf32>
      %add3A_399 = arith.constant 1 : i32
      %add3A_400 = arith.addi %mul3A_357, %add3A_399 : i32
      %get3A_401 = arith.index_cast %add3A_400 : i32 to index
      %get3A_402 = arith.constant 32 : index
      %get3A_403 = tpu.vector_load %arg8[%get3A_401, %get3A_402] {strides = array<i32>} : memref<200x64xf32, #tpu.memory_space<vmem>>, vector<1x16xf32>,
      %get3A_404 = vector.shape_cast %get3A_403 : vector<1x16xf32> to vector<16xf32>
      %add3A_405 = arith.addf %scan3A_353, %get3A_404 : vector<16xf32>
      %add3A_406 = arith.constant 1 : i32
      %add3A_407 = arith.addi %mul3A_357, %add3A_406 : i32
      %get3A_408 = arith.index_cast %add3A_407 : i32 to index
      %get3A_409 = arith.constant 48 : index
      %get3A_410 = tpu.vector_load %arg8[%get3A_408, %get3A_409] {strides = array<i32>} : memref<200x64xf32, #tpu.memory_space<vmem>>, vector<1x16xf32>,
      %get3A_411 = vector.shape_cast %get3A_410 : vector<1x16xf32> to vector<16xf32>
      %add3A_412 = arith.addf %scan3A_355, %get3A_411 : vector<16xf32>
      %add3A_413 = arith.constant 2 : i32
      %add3A_414 = arith.addi %mul3A_357, %add3A_413 : i32
      %get3A_415 = arith.index_cast %add3A_414 : i32 to index
      %get3A_416 = arith.constant 0 : index
      %get3A_417 = tpu.vector_load %arg8[%get3A_415, %get3A_416] {strides = array<i32>} : memref<200x64xf32, #tpu.memory_space<vmem>>, vector<1x16xf32>,
      %get3A_418 = vector.shape_cast %get3A_417 : vector<1x16xf32> to vector<16xf32>
      %add3A_419 = arith.addf %add3A_363, %get3A_418 : vector<16xf32>
      %add3A_420 = arith.constant 2 : i32
      %add3A_421 = arith.addi %mul3A_357, %add3A_420 : i32
      %get3A_422 = arith.index_cast %add3A_421 : i32 to index
      %get3A_423 = arith.constant 16 : index
      %get3A_424 = tpu.vector_load %arg8[%get3A_422, %get3A_423] {strides = array<i32>} : memref<200x64xf32, #tpu.memory_space<vmem>>, vector<1x16xf32>,
      %get3A_425 = vector.shape_cast %get3A_424 : vector<1x16xf32> to vector<16xf32>
      %add3A_426 = arith.addf %add3A_370, %get3A_425 : vector<16xf32>
      %add3A_427 = arith.constant 2 : i32
      %add3A_428 = arith.addi %mul3A_357, %add3A_427 : i32
      %get3A_429 = arith.index_cast %add3A_428 : i32 to index
      %get3A_430 = arith.constant 32 : index
      %get3A_431 = tpu.vector_load %arg8[%get3A_429, %get3A_430] {strides = array<i32>} : memref<200x64xf32, #tpu.memory_space<vmem>>, vector<1x16xf32>,
      %get3A_432 = vector.shape_cast %get3A_431 : vector<1x16xf32> to vector<16xf32>
      %add3A_433 = arith.addf %add3A_377, %get3A_432 : vector<16xf32>
      %add3A_434 = arith.constant 2 : i32
      %add3A_435 = arith.addi %mul3A_357, %add3A_434 : i32
      %get3A_436 = arith.index_cast %add3A_435 : i32 to index
      %get3A_437 = arith.constant 48 : index
      %get3A_438 = tpu.vector_load %arg8[%get3A_436, %get3A_437] {strides = array<i32>} : memref<200x64xf32, #tpu.memory_space<vmem>>, vector<1x16xf32>,
      %get3A_439 = vector.shape_cast %get3A_438 : vector<1x16xf32> to vector<16xf32>
      %add3A_440 = arith.addf %add3A_384, %get3A_439 : vector<16xf32>
      %add3A_441 = arith.constant 3 : i32
      %add3A_442 = arith.addi %mul3A_357, %add3A_441 : i32
      %get3A_443 = arith.index_cast %add3A_442 : i32 to index
      %get3A_444 = arith.constant 0 : index
      %get3A_445 = tpu.vector_load %arg8[%get3A_443, %get3A_444] {strides = array<i32>} : memref<200x64xf32, #tpu.memory_space<vmem>>, vector<1x16xf32>,
      %get3A_446 = vector.shape_cast %get3A_445 : vector<1x16xf32> to vector<16xf32>
      %add3A_447 = arith.addf %add3A_391, %get3A_446 : vector<16xf32>
      %add3A_448 = arith.constant 3 : i32
      %add3A_449 = arith.addi %mul3A_357, %add3A_448 : i32
      %get3A_450 = arith.index_cast %add3A_449 : i32 to index
      %get3A_451 = arith.constant 16 : index
      %get3A_452 = tpu.vector_load %arg8[%get3A_450, %get3A_451] {strides = array<i32>} : memref<200x64xf32, #tpu.memory_space<vmem>>, vector<1x16xf32>,
      %get3A_453 = vector.shape_cast %get3A_452 : vector<1x16xf32> to vector<16xf32>
      %add3A_454 = arith.addf %add3A_398, %get3A_453 : vector<16xf32>
      %add3A_455 = arith.constant 3 : i32
      %add3A_456 = arith.addi %mul3A_357, %add3A_455 : i32
      %get3A_457 = arith.index_cast %add3A_456 : i32 to index
      %get3A_458 = arith.constant 32 : index
      %get3A_459 = tpu.vector_load %arg8[%get3A_457, %get3A_458] {strides = array<i32>} : memref<200x64xf32, #tpu.memory_space<vmem>>, vector<1x16xf32>,
      %get3A_460 = vector.shape_cast %get3A_459 : vector<1x16xf32> to vector<16xf32>
      %add3A_461 = arith.addf %add3A_405, %get3A_460 : vector<16xf32>
      %add3A_462 = arith.constant 3 : i32
      %add3A_463 = arith.addi %mul3A_357, %add3A_462 : i32
      %get3A_464 = arith.index_cast %add3A_463 : i32 to index
      %get3A_465 = arith.constant 48 : index
      %get3A_466 = tpu.vector_load %arg8[%get3A_464, %get3A_465] {strides = array<i32>} : memref<200x64xf32, #tpu.memory_space<vmem>>, vector<1x16xf32>,
      %get3A_467 = vector.shape_cast %get3A_466 : vector<1x16xf32> to vector<16xf32>
      %add3A_468 = arith.addf %add3A_412, %get3A_467 : vector<16xf32>
      scf.yield %add3A_419, %add3A_447, %add3A_426, %add3A_454, %add3A_433, %add3A_461, %add3A_440, %add3A_468 : vector<16xf32>, vector<16xf32>, vector<16xf32>, vector<16xf32>, vector<16xf32>, vector<16xf32>, vector<16xf32>, vector<16xf32>
    }
    %scan3A_214 = arith.constant 50 : i32
    %add3A_215 = arith.addf %scan3A_213#0, %scan3A_213#1 : vector<16xf32>
    %swap3A_216 = arith.constant 125 : i32
    %swap3A_217 = arith.index_cast %swap3A_216 : i32 to index
    %swap3A_218 = arith.constant 0 : index
    %swap3A_219 = tpu.vector_load %arg9[%swap3A_217, %swap3A_218] {strides = array<i32>} : memref<128x64xf32, #tpu.memory_space<vmem>>, vector<1x16xf32>,
    %swap3A_220 = vector.shape_cast %swap3A_219 : vector<1x16xf32> to vector<16xf32>
    %swap3A_221 = vector.shape_cast %add3A_215 : vector<16xf32> to vector<1x16xf32>
    tpu.vector_store %arg9[%swap3A_217, %swap3A_218], %swap3A_221 {strides = array<i32>} : memref<128x64xf32, #tpu.memory_space<vmem>>, vector<1x16xf32>,
    %add3A_222 = arith.addf %scan3A_213#2, %scan3A_213#3 : vector<16xf32>
    %swap3A_223 = arith.constant 125 : i32
    %swap3A_224 = arith.index_cast %swap3A_223 : i32 to index
    %swap3A_225 = arith.constant 16 : index
    %swap3A_226 = tpu.vector_load %arg9[%swap3A_224, %swap3A_225] {strides = array<i32>} : memref<128x64xf32, #tpu.memory_space<vmem>>, vector<1x16xf32>,
    %swap3A_227 = vector.shape_cast %swap3A_226 : vector<1x16xf32> to vector<16xf32>
    %swap3A_228 = vector.shape_cast %add3A_222 : vector<16xf32> to vector<1x16xf32>
    tpu.vector_store %arg9[%swap3A_224, %swap3A_225], %swap3A_228 {strides = array<i32>} : memref<128x64xf32, #tpu.memory_space<vmem>>, vector<1x16xf32>,
    %add3A_229 = arith.addf %scan3A_213#4, %scan3A_213#5 : vector<16xf32>
    %swap3A_230 = arith.constant 125 : i32
    %swap3A_231 = arith.index_cast %swap3A_230 : i32 to index
    %swap3A_232 = arith.constant 32 : index
    %swap3A_233 = tpu.vector_load %arg9[%swap3A_231, %swap3A_232] {strides = array<i32>} : memref<128x64xf32, #tpu.memory_space<vmem>>, vector<1x16xf32>,
    %swap3A_234 = vector.shape_cast %swap3A_233 : vector<1x16xf32> to vector<16xf32>
    %swap3A_235 = vector.shape_cast %add3A_229 : vector<16xf32> to vector<1x16xf32>
    tpu.vector_store %arg9[%swap3A_231, %swap3A_232], %swap3A_235 {strides = array<i32>} : memref<128x64xf32, #tpu.memory_space<vmem>>, vector<1x16xf32>,
    %add3A_236 = arith.addf %scan3A_213#6, %scan3A_213#7 : vector<16xf32>
    %swap3A_237 = arith.constant 125 : i32
    %swap3A_238 = arith.index_cast %swap3A_237 : i32 to index
    %swap3A_239 = arith.constant 48 : index
    %swap3A_240 = tpu.vector_load %arg9[%swap3A_238, %swap3A_239] {strides = array<i32>} : memref<128x64xf32, #tpu.memory_space<vmem>>, vector<1x16xf32>,
    %swap3A_241 = vector.shape_cast %swap3A_240 : vector<1x16xf32> to vector<16xf32>
    %swap3A_242 = vector.shape_cast %add3A_236 : vector<16xf32> to vector<1x16xf32>
    tpu.vector_store %arg9[%swap3A_238, %swap3A_239], %swap3A_242 {strides = array<i32>} : memref<128x64xf32, #tpu.memory_space<vmem>>, vector<1x16xf32>,
    %dma_wait3A_243 = arith.constant 0 : i32
    %dma_wait3A_244 = arith.constant 0 : i32
    %dma_wait3A_245 = tpu.memref_slice %arg6[%dma_wait3A_243, %dma_wait3A_244] : memref<200x64xf32, #tpu.memory_space<vmem>> -> memref<128x64xf32, #tpu.memory_space<vmem>>
    %dma_wait3A_246 = arith.constant 25200 : i32
    %dma_wait3A_247 = tpu.memref_slice %arg5[%dma_wait3A_246] : memref<25600xi32, #tpu.memory_space<vmem>> -> memref<128xi32, #tpu.memory_space<vmem>>
    %dma_wait3A_248 = arith.constant 0 : i32
    %dma_wait3A_249 = arith.constant 0 : i32
    %dma_wait3A_250 = tpu.memref_slice %arg3[%dma_wait3A_248, %dma_wait3A_249] : memref<1000000x64xf32, #tpu.memory_space<hbm>> -> memref<1000000x64xf32, #tpu.memory_space<hbm>>
    tpu.wait_indirect_dma semaphore(%arg10 : memref<!tpu.dma_semaphore, #tpu.memory_space<semaphore_mem>>) src(%dma_wait3A_250 : memref<1000000x64xf32, #tpu.memory_space<hbm>>) dst(%dma_wait3A_245 : memref<128x64xf32, #tpu.memory_space<vmem>>)
    %dma_wait3A_251 = arith.constant 128 : i32
    %dma_wait3A_252 = arith.constant 0 : i32
    %dma_wait3A_253 = tpu.memref_slice %arg6[%dma_wait3A_251, %dma_wait3A_252] : memref<200x64xf32, #tpu.memory_space<vmem>> -> memref<72x64xf32, #tpu.memory_space<vmem>>
    %dma_wait3A_254 = arith.constant 25328 : i32
    %dma_wait3A_255 = tpu.memref_slice %arg5[%dma_wait3A_254] : memref<25600xi32, #tpu.memory_space<vmem>> -> memref<72xi32, #tpu.memory_space<vmem>>
    %dma_wait3A_256 = arith.constant 0 : i32
    %dma_wait3A_257 = arith.constant 0 : i32
    %dma_wait3A_258 = tpu.memref_slice %arg3[%dma_wait3A_256, %dma_wait3A_257] : memref<1000000x64xf32, #tpu.memory_space<hbm>> -> memref<1000000x64xf32, #tpu.memory_space<hbm>>
    tpu.wait_indirect_dma semaphore(%arg10 : memref<!tpu.dma_semaphore, #tpu.memory_space<semaphore_mem>>) src(%dma_wait3A_258 : memref<1000000x64xf32, #tpu.memory_space<hbm>>) dst(%dma_wait3A_253 : memref<72x64xf32, #tpu.memory_space<vmem>>)
    %broadcast_in_dim3A_259 = arith.constant 0.000000e+00 : f32
    %broadcast_in_dim3A_260 = vector.broadcast %broadcast_in_dim3A_259 : f32 to vector<16xf32>
    %scan3A_261 = arith.constant 0 : i32
    %scan3A_262 = arith.constant 50 : i32
    %scan3A_263 = arith.addi %scan3A_261, %scan3A_262 : i32
    %scan3A_264 = arith.constant 1 : i32
    %scan3A_265:8 = scf.for %scan3A_347 = %scan3A_261 to %scan3A_263 step %scan3A_264 iter_args(%scan3A_348 = %broadcast_in_dim3A_260, %scan3A_349 = %broadcast_in_dim3A_260, %scan3A_350 = %broadcast_in_dim3A_260, %scan3A_351 = %broadcast_in_dim3A_260, %scan3A_352 = %broadcast_in_dim3A_260, %scan3A_353 = %broadcast_in_dim3A_260, %scan3A_354 = %broadcast_in_dim3A_260, %scan3A_355 = %broadcast_in_dim3A_260) -> (vector<16xf32>, vector<16xf32>, vector<16xf32>, vector<16xf32>, vector<16xf32>, vector<16xf32>, vector<16xf32>, vector<16xf32>)  : i32 {
      %mul3A_356 = arith.constant 4 : i32
      %mul3A_357 = arith.muli %scan3A_347, %mul3A_356 : i32
      %add3A_358 = arith.constant 0 : i32
      %add3A_359 = arith.addi %mul3A_357, %add3A_358 : i32
      %get3A = arith.index_cast %add3A_359 : i32 to index
      %get3A_360 = arith.constant 0 : index
      %get3A_361 = tpu.vector_load %arg6[%get3A, %get3A_360] {strides = array<i32>} : memref<200x64xf32, #tpu.memory_space<vmem>>, vector<1x16xf32>,
      %get3A_362 = vector.shape_cast %get3A_361 : vector<1x16xf32> to vector<16xf32>
      %add3A_363 = arith.addf %scan3A_348, %get3A_362 : vector<16xf32>
      %add3A_364 = arith.constant 0 : i32
      %add3A_365 = arith.addi %mul3A_357, %add3A_364 : i32
      %get3A_366 = arith.index_cast %add3A_365 : i32 to index
      %get3A_367 = arith.constant 16 : index
      %get3A_368 = tpu.vector_load %arg6[%get3A_366, %get3A_367] {strides = array<i32>} : memref<200x64xf32, #tpu.memory_space<vmem>>, vector<1x16xf32>,
      %get3A_369 = vector.shape_cast %get3A_368 : vector<1x16xf32> to vector<16xf32>
      %add3A_370 = arith.addf %scan3A_350, %get3A_369 : vector<16xf32>
      %add3A_371 = arith.constant 0 : i32
      %add3A_372 = arith.addi %mul3A_357, %add3A_371 : i32
      %get3A_373 = arith.index_cast %add3A_372 : i32 to index
      %get3A_374 = arith.constant 32 : index
      %get3A_375 = tpu.vector_load %arg6[%get3A_373, %get3A_374] {strides = array<i32>} : memref<200x64xf32, #tpu.memory_space<vmem>>, vector<1x16xf32>,
      %get3A_376 = vector.shape_cast %get3A_375 : vector<1x16xf32> to vector<16xf32>
      %add3A_377 = arith.addf %scan3A_352, %get3A_376 : vector<16xf32>
      %add3A_378 = arith.constant 0 : i32
      %add3A_379 = arith.addi %mul3A_357, %add3A_378 : i32
      %get3A_380 = arith.index_cast %add3A_379 : i32 to index
      %get3A_381 = arith.constant 48 : index
      %get3A_382 = tpu.vector_load %arg6[%get3A_380, %get3A_381] {strides = array<i32>} : memref<200x64xf32, #tpu.memory_space<vmem>>, vector<1x16xf32>,
      %get3A_383 = vector.shape_cast %get3A_382 : vector<1x16xf32> to vector<16xf32>
      %add3A_384 = arith.addf %scan3A_354, %get3A_383 : vector<16xf32>
      %add3A_385 = arith.constant 1 : i32
      %add3A_386 = arith.addi %mul3A_357, %add3A_385 : i32
      %get3A_387 = arith.index_cast %add3A_386 : i32 to index
      %get3A_388 = arith.constant 0 : index
      %get3A_389 = tpu.vector_load %arg6[%get3A_387, %get3A_388] {strides = array<i32>} : memref<200x64xf32, #tpu.memory_space<vmem>>, vector<1x16xf32>,
      %get3A_390 = vector.shape_cast %get3A_389 : vector<1x16xf32> to vector<16xf32>
      %add3A_391 = arith.addf %scan3A_349, %get3A_390 : vector<16xf32>
      %add3A_392 = arith.constant 1 : i32
      %add3A_393 = arith.addi %mul3A_357, %add3A_392 : i32
      %get3A_394 = arith.index_cast %add3A_393 : i32 to index
      %get3A_395 = arith.constant 16 : index
      %get3A_396 = tpu.vector_load %arg6[%get3A_394, %get3A_395] {strides = array<i32>} : memref<200x64xf32, #tpu.memory_space<vmem>>, vector<1x16xf32>,
      %get3A_397 = vector.shape_cast %get3A_396 : vector<1x16xf32> to vector<16xf32>
      %add3A_398 = arith.addf %scan3A_351, %get3A_397 : vector<16xf32>
      %add3A_399 = arith.constant 1 : i32
      %add3A_400 = arith.addi %mul3A_357, %add3A_399 : i32
      %get3A_401 = arith.index_cast %add3A_400 : i32 to index
      %get3A_402 = arith.constant 32 : index
      %get3A_403 = tpu.vector_load %arg6[%get3A_401, %get3A_402] {strides = array<i32>} : memref<200x64xf32, #tpu.memory_space<vmem>>, vector<1x16xf32>,
      %get3A_404 = vector.shape_cast %get3A_403 : vector<1x16xf32> to vector<16xf32>
      %add3A_405 = arith.addf %scan3A_353, %get3A_404 : vector<16xf32>
      %add3A_406 = arith.constant 1 : i32
      %add3A_407 = arith.addi %mul3A_357, %add3A_406 : i32
      %get3A_408 = arith.index_cast %add3A_407 : i32 to index
      %get3A_409 = arith.constant 48 : index
      %get3A_410 = tpu.vector_load %arg6[%get3A_408, %get3A_409] {strides = array<i32>} : memref<200x64xf32, #tpu.memory_space<vmem>>, vector<1x16xf32>,
      %get3A_411 = vector.shape_cast %get3A_410 : vector<1x16xf32> to vector<16xf32>
      %add3A_412 = arith.addf %scan3A_355, %get3A_411 : vector<16xf32>
      %add3A_413 = arith.constant 2 : i32
      %add3A_414 = arith.addi %mul3A_357, %add3A_413 : i32
      %get3A_415 = arith.index_cast %add3A_414 : i32 to index
      %get3A_416 = arith.constant 0 : index
      %get3A_417 = tpu.vector_load %arg6[%get3A_415, %get3A_416] {strides = array<i32>} : memref<200x64xf32, #tpu.memory_space<vmem>>, vector<1x16xf32>,
      %get3A_418 = vector.shape_cast %get3A_417 : vector<1x16xf32> to vector<16xf32>
      %add3A_419 = arith.addf %add3A_363, %get3A_418 : vector<16xf32>
      %add3A_420 = arith.constant 2 : i32
      %add3A_421 = arith.addi %mul3A_357, %add3A_420 : i32
      %get3A_422 = arith.index_cast %add3A_421 : i32 to index
      %get3A_423 = arith.constant 16 : index
      %get3A_424 = tpu.vector_load %arg6[%get3A_422, %get3A_423] {strides = array<i32>} : memref<200x64xf32, #tpu.memory_space<vmem>>, vector<1x16xf32>,
      %get3A_425 = vector.shape_cast %get3A_424 : vector<1x16xf32> to vector<16xf32>
      %add3A_426 = arith.addf %add3A_370, %get3A_425 : vector<16xf32>
      %add3A_427 = arith.constant 2 : i32
      %add3A_428 = arith.addi %mul3A_357, %add3A_427 : i32
      %get3A_429 = arith.index_cast %add3A_428 : i32 to index
      %get3A_430 = arith.constant 32 : index
      %get3A_431 = tpu.vector_load %arg6[%get3A_429, %get3A_430] {strides = array<i32>} : memref<200x64xf32, #tpu.memory_space<vmem>>, vector<1x16xf32>,
      %get3A_432 = vector.shape_cast %get3A_431 : vector<1x16xf32> to vector<16xf32>
      %add3A_433 = arith.addf %add3A_377, %get3A_432 : vector<16xf32>
      %add3A_434 = arith.constant 2 : i32
      %add3A_435 = arith.addi %mul3A_357, %add3A_434 : i32
      %get3A_436 = arith.index_cast %add3A_435 : i32 to index
      %get3A_437 = arith.constant 48 : index
      %get3A_438 = tpu.vector_load %arg6[%get3A_436, %get3A_437] {strides = array<i32>} : memref<200x64xf32, #tpu.memory_space<vmem>>, vector<1x16xf32>,
      %get3A_439 = vector.shape_cast %get3A_438 : vector<1x16xf32> to vector<16xf32>
      %add3A_440 = arith.addf %add3A_384, %get3A_439 : vector<16xf32>
      %add3A_441 = arith.constant 3 : i32
      %add3A_442 = arith.addi %mul3A_357, %add3A_441 : i32
      %get3A_443 = arith.index_cast %add3A_442 : i32 to index
      %get3A_444 = arith.constant 0 : index
      %get3A_445 = tpu.vector_load %arg6[%get3A_443, %get3A_444] {strides = array<i32>} : memref<200x64xf32, #tpu.memory_space<vmem>>, vector<1x16xf32>,
      %get3A_446 = vector.shape_cast %get3A_445 : vector<1x16xf32> to vector<16xf32>
      %add3A_447 = arith.addf %add3A_391, %get3A_446 : vector<16xf32>
      %add3A_448 = arith.constant 3 : i32
      %add3A_449 = arith.addi %mul3A_357, %add3A_448 : i32
      %get3A_450 = arith.index_cast %add3A_449 : i32 to index
      %get3A_451 = arith.constant 16 : index
      %get3A_452 = tpu.vector_load %arg6[%get3A_450, %get3A_451] {strides = array<i32>} : memref<200x64xf32, #tpu.memory_space<vmem>>, vector<1x16xf32>,
      %get3A_453 = vector.shape_cast %get3A_452 : vector<1x16xf32> to vector<16xf32>
      %add3A_454 = arith.addf %add3A_398, %get3A_453 : vector<16xf32>
      %add3A_455 = arith.constant 3 : i32
      %add3A_456 = arith.addi %mul3A_357, %add3A_455 : i32
      %get3A_457 = arith.index_cast %add3A_456 : i32 to index
      %get3A_458 = arith.constant 32 : index
      %get3A_459 = tpu.vector_load %arg6[%get3A_457, %get3A_458] {strides = array<i32>} : memref<200x64xf32, #tpu.memory_space<vmem>>, vector<1x16xf32>,
      %get3A_460 = vector.shape_cast %get3A_459 : vector<1x16xf32> to vector<16xf32>
      %add3A_461 = arith.addf %add3A_405, %get3A_460 : vector<16xf32>
      %add3A_462 = arith.constant 3 : i32
      %add3A_463 = arith.addi %mul3A_357, %add3A_462 : i32
      %get3A_464 = arith.index_cast %add3A_463 : i32 to index
      %get3A_465 = arith.constant 48 : index
      %get3A_466 = tpu.vector_load %arg6[%get3A_464, %get3A_465] {strides = array<i32>} : memref<200x64xf32, #tpu.memory_space<vmem>>, vector<1x16xf32>,
      %get3A_467 = vector.shape_cast %get3A_466 : vector<1x16xf32> to vector<16xf32>
      %add3A_468 = arith.addf %add3A_412, %get3A_467 : vector<16xf32>
      scf.yield %add3A_419, %add3A_447, %add3A_426, %add3A_454, %add3A_433, %add3A_461, %add3A_440, %add3A_468 : vector<16xf32>, vector<16xf32>, vector<16xf32>, vector<16xf32>, vector<16xf32>, vector<16xf32>, vector<16xf32>, vector<16xf32>
    }
    %scan3A_266 = arith.constant 50 : i32
    %add3A_267 = arith.addf %scan3A_265#0, %scan3A_265#1 : vector<16xf32>
    %swap3A_268 = arith.constant 126 : i32
    %swap3A_269 = arith.index_cast %swap3A_268 : i32 to index
    %swap3A_270 = arith.constant 0 : index
    %swap3A_271 = tpu.vector_load %arg9[%swap3A_269, %swap3A_270] {strides = array<i32>} : memref<128x64xf32, #tpu.memory_space<vmem>>, vector<1x16xf32>,
    %swap3A_272 = vector.shape_cast %swap3A_271 : vector<1x16xf32> to vector<16xf32>
    %swap3A_273 = vector.shape_cast %add3A_267 : vector<16xf32> to vector<1x16xf32>
    tpu.vector_store %arg9[%swap3A_269, %swap3A_270], %swap3A_273 {strides = array<i32>} : memref<128x64xf32, #tpu.memory_space<vmem>>, vector<1x16xf32>,
    %add3A_274 = arith.addf %scan3A_265#2, %scan3A_265#3 : vector<16xf32>
    %swap3A_275 = arith.constant 126 : i32
    %swap3A_276 = arith.index_cast %swap3A_275 : i32 to index
    %swap3A_277 = arith.constant 16 : index
    %swap3A_278 = tpu.vector_load %arg9[%swap3A_276, %swap3A_277] {strides = array<i32>} : memref<128x64xf32, #tpu.memory_space<vmem>>, vector<1x16xf32>,
    %swap3A_279 = vector.shape_cast %swap3A_278 : vector<1x16xf32> to vector<16xf32>
    %swap3A_280 = vector.shape_cast %add3A_274 : vector<16xf32> to vector<1x16xf32>
    tpu.vector_store %arg9[%swap3A_276, %swap3A_277], %swap3A_280 {strides = array<i32>} : memref<128x64xf32, #tpu.memory_space<vmem>>, vector<1x16xf32>,
    %add3A_281 = arith.addf %scan3A_265#4, %scan3A_265#5 : vector<16xf32>
    %swap3A_282 = arith.constant 126 : i32
    %swap3A_283 = arith.index_cast %swap3A_282 : i32 to index
    %swap3A_284 = arith.constant 32 : index
    %swap3A_285 = tpu.vector_load %arg9[%swap3A_283, %swap3A_284] {strides = array<i32>} : memref<128x64xf32, #tpu.memory_space<vmem>>, vector<1x16xf32>,
    %swap3A_286 = vector.shape_cast %swap3A_285 : vector<1x16xf32> to vector<16xf32>
    %swap3A_287 = vector.shape_cast %add3A_281 : vector<16xf32> to vector<1x16xf32>
    tpu.vector_store %arg9[%swap3A_283, %swap3A_284], %swap3A_287 {strides = array<i32>} : memref<128x64xf32, #tpu.memory_space<vmem>>, vector<1x16xf32>,
    %add3A_288 = arith.addf %scan3A_265#6, %scan3A_265#7 : vector<16xf32>
    %swap3A_289 = arith.constant 126 : i32
    %swap3A_290 = arith.index_cast %swap3A_289 : i32 to index
    %swap3A_291 = arith.constant 48 : index
    %swap3A_292 = tpu.vector_load %arg9[%swap3A_290, %swap3A_291] {strides = array<i32>} : memref<128x64xf32, #tpu.memory_space<vmem>>, vector<1x16xf32>,
    %swap3A_293 = vector.shape_cast %swap3A_292 : vector<1x16xf32> to vector<16xf32>
    %swap3A_294 = vector.shape_cast %add3A_288 : vector<16xf32> to vector<1x16xf32>
    tpu.vector_store %arg9[%swap3A_290, %swap3A_291], %swap3A_294 {strides = array<i32>} : memref<128x64xf32, #tpu.memory_space<vmem>>, vector<1x16xf32>,
    %dma_wait3A_295 = arith.constant 0 : i32
    %dma_wait3A_296 = arith.constant 0 : i32
    %dma_wait3A_297 = tpu.memref_slice %arg7[%dma_wait3A_295, %dma_wait3A_296] : memref<200x64xf32, #tpu.memory_space<vmem>> -> memref<128x64xf32, #tpu.memory_space<vmem>>
    %dma_wait3A_298 = arith.constant 25400 : i32
    %dma_wait3A_299 = tpu.memref_slice %arg5[%dma_wait3A_298] : memref<25600xi32, #tpu.memory_space<vmem>> -> memref<128xi32, #tpu.memory_space<vmem>>
    %dma_wait3A_300 = arith.constant 0 : i32
    %dma_wait3A_301 = arith.constant 0 : i32
    %dma_wait3A_302 = tpu.memref_slice %arg3[%dma_wait3A_300, %dma_wait3A_301] : memref<1000000x64xf32, #tpu.memory_space<hbm>> -> memref<1000000x64xf32, #tpu.memory_space<hbm>>
    tpu.wait_indirect_dma semaphore(%arg11 : memref<!tpu.dma_semaphore, #tpu.memory_space<semaphore_mem>>) src(%dma_wait3A_302 : memref<1000000x64xf32, #tpu.memory_space<hbm>>) dst(%dma_wait3A_297 : memref<128x64xf32, #tpu.memory_space<vmem>>)
    %dma_wait3A_303 = arith.constant 128 : i32
    %dma_wait3A_304 = arith.constant 0 : i32
    %dma_wait3A_305 = tpu.memref_slice %arg7[%dma_wait3A_303, %dma_wait3A_304] : memref<200x64xf32, #tpu.memory_space<vmem>> -> memref<72x64xf32, #tpu.memory_space<vmem>>
    %dma_wait3A_306 = arith.constant 25528 : i32
    %dma_wait3A_307 = tpu.memref_slice %arg5[%dma_wait3A_306] : memref<25600xi32, #tpu.memory_space<vmem>> -> memref<72xi32, #tpu.memory_space<vmem>>
    %dma_wait3A_308 = arith.constant 0 : i32
    %dma_wait3A_309 = arith.constant 0 : i32
    %dma_wait3A_310 = tpu.memref_slice %arg3[%dma_wait3A_308, %dma_wait3A_309] : memref<1000000x64xf32, #tpu.memory_space<hbm>> -> memref<1000000x64xf32, #tpu.memory_space<hbm>>
    tpu.wait_indirect_dma semaphore(%arg11 : memref<!tpu.dma_semaphore, #tpu.memory_space<semaphore_mem>>) src(%dma_wait3A_310 : memref<1000000x64xf32, #tpu.memory_space<hbm>>) dst(%dma_wait3A_305 : memref<72x64xf32, #tpu.memory_space<vmem>>)
    %broadcast_in_dim3A_311 = arith.constant 0.000000e+00 : f32
    %broadcast_in_dim3A_312 = vector.broadcast %broadcast_in_dim3A_311 : f32 to vector<16xf32>
    %scan3A_313 = arith.constant 0 : i32
    %scan3A_314 = arith.constant 50 : i32
    %scan3A_315 = arith.addi %scan3A_313, %scan3A_314 : i32
    %scan3A_316 = arith.constant 1 : i32
    %scan3A_317:8 = scf.for %scan3A_347 = %scan3A_313 to %scan3A_315 step %scan3A_316 iter_args(%scan3A_348 = %broadcast_in_dim3A_312, %scan3A_349 = %broadcast_in_dim3A_312, %scan3A_350 = %broadcast_in_dim3A_312, %scan3A_351 = %broadcast_in_dim3A_312, %scan3A_352 = %broadcast_in_dim3A_312, %scan3A_353 = %broadcast_in_dim3A_312, %scan3A_354 = %broadcast_in_dim3A_312, %scan3A_355 = %broadcast_in_dim3A_312) -> (vector<16xf32>, vector<16xf32>, vector<16xf32>, vector<16xf32>, vector<16xf32>, vector<16xf32>, vector<16xf32>, vector<16xf32>)  : i32 {
      %mul3A_356 = arith.constant 4 : i32
      %mul3A_357 = arith.muli %scan3A_347, %mul3A_356 : i32
      %add3A_358 = arith.constant 0 : i32
      %add3A_359 = arith.addi %mul3A_357, %add3A_358 : i32
      %get3A = arith.index_cast %add3A_359 : i32 to index
      %get3A_360 = arith.constant 0 : index
      %get3A_361 = tpu.vector_load %arg7[%get3A, %get3A_360] {strides = array<i32>} : memref<200x64xf32, #tpu.memory_space<vmem>>, vector<1x16xf32>,
      %get3A_362 = vector.shape_cast %get3A_361 : vector<1x16xf32> to vector<16xf32>
      %add3A_363 = arith.addf %scan3A_348, %get3A_362 : vector<16xf32>
      %add3A_364 = arith.constant 0 : i32
      %add3A_365 = arith.addi %mul3A_357, %add3A_364 : i32
      %get3A_366 = arith.index_cast %add3A_365 : i32 to index
      %get3A_367 = arith.constant 16 : index
      %get3A_368 = tpu.vector_load %arg7[%get3A_366, %get3A_367] {strides = array<i32>} : memref<200x64xf32, #tpu.memory_space<vmem>>, vector<1x16xf32>,
      %get3A_369 = vector.shape_cast %get3A_368 : vector<1x16xf32> to vector<16xf32>
      %add3A_370 = arith.addf %scan3A_350, %get3A_369 : vector<16xf32>
      %add3A_371 = arith.constant 0 : i32
      %add3A_372 = arith.addi %mul3A_357, %add3A_371 : i32
      %get3A_373 = arith.index_cast %add3A_372 : i32 to index
      %get3A_374 = arith.constant 32 : index
      %get3A_375 = tpu.vector_load %arg7[%get3A_373, %get3A_374] {strides = array<i32>} : memref<200x64xf32, #tpu.memory_space<vmem>>, vector<1x16xf32>,
      %get3A_376 = vector.shape_cast %get3A_375 : vector<1x16xf32> to vector<16xf32>
      %add3A_377 = arith.addf %scan3A_352, %get3A_376 : vector<16xf32>
      %add3A_378 = arith.constant 0 : i32
      %add3A_379 = arith.addi %mul3A_357, %add3A_378 : i32
      %get3A_380 = arith.index_cast %add3A_379 : i32 to index
      %get3A_381 = arith.constant 48 : index
      %get3A_382 = tpu.vector_load %arg7[%get3A_380, %get3A_381] {strides = array<i32>} : memref<200x64xf32, #tpu.memory_space<vmem>>, vector<1x16xf32>,
      %get3A_383 = vector.shape_cast %get3A_382 : vector<1x16xf32> to vector<16xf32>
      %add3A_384 = arith.addf %scan3A_354, %get3A_383 : vector<16xf32>
      %add3A_385 = arith.constant 1 : i32
      %add3A_386 = arith.addi %mul3A_357, %add3A_385 : i32
      %get3A_387 = arith.index_cast %add3A_386 : i32 to index
      %get3A_388 = arith.constant 0 : index
      %get3A_389 = tpu.vector_load %arg7[%get3A_387, %get3A_388] {strides = array<i32>} : memref<200x64xf32, #tpu.memory_space<vmem>>, vector<1x16xf32>,
      %get3A_390 = vector.shape_cast %get3A_389 : vector<1x16xf32> to vector<16xf32>
      %add3A_391 = arith.addf %scan3A_349, %get3A_390 : vector<16xf32>
      %add3A_392 = arith.constant 1 : i32
      %add3A_393 = arith.addi %mul3A_357, %add3A_392 : i32
      %get3A_394 = arith.index_cast %add3A_393 : i32 to index
      %get3A_395 = arith.constant 16 : index
      %get3A_396 = tpu.vector_load %arg7[%get3A_394, %get3A_395] {strides = array<i32>} : memref<200x64xf32, #tpu.memory_space<vmem>>, vector<1x16xf32>,
      %get3A_397 = vector.shape_cast %get3A_396 : vector<1x16xf32> to vector<16xf32>
      %add3A_398 = arith.addf %scan3A_351, %get3A_397 : vector<16xf32>
      %add3A_399 = arith.constant 1 : i32
      %add3A_400 = arith.addi %mul3A_357, %add3A_399 : i32
      %get3A_401 = arith.index_cast %add3A_400 : i32 to index
      %get3A_402 = arith.constant 32 : index
      %get3A_403 = tpu.vector_load %arg7[%get3A_401, %get3A_402] {strides = array<i32>} : memref<200x64xf32, #tpu.memory_space<vmem>>, vector<1x16xf32>,
      %get3A_404 = vector.shape_cast %get3A_403 : vector<1x16xf32> to vector<16xf32>
      %add3A_405 = arith.addf %scan3A_353, %get3A_404 : vector<16xf32>
      %add3A_406 = arith.constant 1 : i32
      %add3A_407 = arith.addi %mul3A_357, %add3A_406 : i32
      %get3A_408 = arith.index_cast %add3A_407 : i32 to index
      %get3A_409 = arith.constant 48 : index
      %get3A_410 = tpu.vector_load %arg7[%get3A_408, %get3A_409] {strides = array<i32>} : memref<200x64xf32, #tpu.memory_space<vmem>>, vector<1x16xf32>,
      %get3A_411 = vector.shape_cast %get3A_410 : vector<1x16xf32> to vector<16xf32>
      %add3A_412 = arith.addf %scan3A_355, %get3A_411 : vector<16xf32>
      %add3A_413 = arith.constant 2 : i32
      %add3A_414 = arith.addi %mul3A_357, %add3A_413 : i32
      %get3A_415 = arith.index_cast %add3A_414 : i32 to index
      %get3A_416 = arith.constant 0 : index
      %get3A_417 = tpu.vector_load %arg7[%get3A_415, %get3A_416] {strides = array<i32>} : memref<200x64xf32, #tpu.memory_space<vmem>>, vector<1x16xf32>,
      %get3A_418 = vector.shape_cast %get3A_417 : vector<1x16xf32> to vector<16xf32>
      %add3A_419 = arith.addf %add3A_363, %get3A_418 : vector<16xf32>
      %add3A_420 = arith.constant 2 : i32
      %add3A_421 = arith.addi %mul3A_357, %add3A_420 : i32
      %get3A_422 = arith.index_cast %add3A_421 : i32 to index
      %get3A_423 = arith.constant 16 : index
      %get3A_424 = tpu.vector_load %arg7[%get3A_422, %get3A_423] {strides = array<i32>} : memref<200x64xf32, #tpu.memory_space<vmem>>, vector<1x16xf32>,
      %get3A_425 = vector.shape_cast %get3A_424 : vector<1x16xf32> to vector<16xf32>
      %add3A_426 = arith.addf %add3A_370, %get3A_425 : vector<16xf32>
      %add3A_427 = arith.constant 2 : i32
      %add3A_428 = arith.addi %mul3A_357, %add3A_427 : i32
      %get3A_429 = arith.index_cast %add3A_428 : i32 to index
      %get3A_430 = arith.constant 32 : index
      %get3A_431 = tpu.vector_load %arg7[%get3A_429, %get3A_430] {strides = array<i32>} : memref<200x64xf32, #tpu.memory_space<vmem>>, vector<1x16xf32>,
      %get3A_432 = vector.shape_cast %get3A_431 : vector<1x16xf32> to vector<16xf32>
      %add3A_433 = arith.addf %add3A_377, %get3A_432 : vector<16xf32>
      %add3A_434 = arith.constant 2 : i32
      %add3A_435 = arith.addi %mul3A_357, %add3A_434 : i32
      %get3A_436 = arith.index_cast %add3A_435 : i32 to index
      %get3A_437 = arith.constant 48 : index
      %get3A_438 = tpu.vector_load %arg7[%get3A_436, %get3A_437] {strides = array<i32>} : memref<200x64xf32, #tpu.memory_space<vmem>>, vector<1x16xf32>,
      %get3A_439 = vector.shape_cast %get3A_438 : vector<1x16xf32> to vector<16xf32>
      %add3A_440 = arith.addf %add3A_384, %get3A_439 : vector<16xf32>
      %add3A_441 = arith.constant 3 : i32
      %add3A_442 = arith.addi %mul3A_357, %add3A_441 : i32
      %get3A_443 = arith.index_cast %add3A_442 : i32 to index
      %get3A_444 = arith.constant 0 : index
      %get3A_445 = tpu.vector_load %arg7[%get3A_443, %get3A_444] {strides = array<i32>} : memref<200x64xf32, #tpu.memory_space<vmem>>, vector<1x16xf32>,
      %get3A_446 = vector.shape_cast %get3A_445 : vector<1x16xf32> to vector<16xf32>
      %add3A_447 = arith.addf %add3A_391, %get3A_446 : vector<16xf32>
      %add3A_448 = arith.constant 3 : i32
      %add3A_449 = arith.addi %mul3A_357, %add3A_448 : i32
      %get3A_450 = arith.index_cast %add3A_449 : i32 to index
      %get3A_451 = arith.constant 16 : index
      %get3A_452 = tpu.vector_load %arg7[%get3A_450, %get3A_451] {strides = array<i32>} : memref<200x64xf32, #tpu.memory_space<vmem>>, vector<1x16xf32>,
      %get3A_453 = vector.shape_cast %get3A_452 : vector<1x16xf32> to vector<16xf32>
      %add3A_454 = arith.addf %add3A_398, %get3A_453 : vector<16xf32>
      %add3A_455 = arith.constant 3 : i32
      %add3A_456 = arith.addi %mul3A_357, %add3A_455 : i32
      %get3A_457 = arith.index_cast %add3A_456 : i32 to index
      %get3A_458 = arith.constant 32 : index
      %get3A_459 = tpu.vector_load %arg7[%get3A_457, %get3A_458] {strides = array<i32>} : memref<200x64xf32, #tpu.memory_space<vmem>>, vector<1x16xf32>,
      %get3A_460 = vector.shape_cast %get3A_459 : vector<1x16xf32> to vector<16xf32>
      %add3A_461 = arith.addf %add3A_405, %get3A_460 : vector<16xf32>
      %add3A_462 = arith.constant 3 : i32
      %add3A_463 = arith.addi %mul3A_357, %add3A_462 : i32
      %get3A_464 = arith.index_cast %add3A_463 : i32 to index
      %get3A_465 = arith.constant 48 : index
      %get3A_466 = tpu.vector_load %arg7[%get3A_464, %get3A_465] {strides = array<i32>} : memref<200x64xf32, #tpu.memory_space<vmem>>, vector<1x16xf32>,
      %get3A_467 = vector.shape_cast %get3A_466 : vector<1x16xf32> to vector<16xf32>
      %add3A_468 = arith.addf %add3A_412, %get3A_467 : vector<16xf32>
      scf.yield %add3A_419, %add3A_447, %add3A_426, %add3A_454, %add3A_433, %add3A_461, %add3A_440, %add3A_468 : vector<16xf32>, vector<16xf32>, vector<16xf32>, vector<16xf32>, vector<16xf32>, vector<16xf32>, vector<16xf32>, vector<16xf32>
    }
    %scan3A_318 = arith.constant 50 : i32
    %add3A_319 = arith.addf %scan3A_317#0, %scan3A_317#1 : vector<16xf32>
    %swap3A_320 = arith.constant 127 : i32
    %swap3A_321 = arith.index_cast %swap3A_320 : i32 to index
    %swap3A_322 = arith.constant 0 : index
    %swap3A_323 = tpu.vector_load %arg9[%swap3A_321, %swap3A_322] {strides = array<i32>} : memref<128x64xf32, #tpu.memory_space<vmem>>, vector<1x16xf32>,
    %swap3A_324 = vector.shape_cast %swap3A_323 : vector<1x16xf32> to vector<16xf32>
    %swap3A_325 = vector.shape_cast %add3A_319 : vector<16xf32> to vector<1x16xf32>
    tpu.vector_store %arg9[%swap3A_321, %swap3A_322], %swap3A_325 {strides = array<i32>} : memref<128x64xf32, #tpu.memory_space<vmem>>, vector<1x16xf32>,
    %add3A_326 = arith.addf %scan3A_317#2, %scan3A_317#3 : vector<16xf32>
    %swap3A_327 = arith.constant 127 : i32
    %swap3A_328 = arith.index_cast %swap3A_327 : i32 to index
    %swap3A_329 = arith.constant 16 : index
    %swap3A_330 = tpu.vector_load %arg9[%swap3A_328, %swap3A_329] {strides = array<i32>} : memref<128x64xf32, #tpu.memory_space<vmem>>, vector<1x16xf32>,
    %swap3A_331 = vector.shape_cast %swap3A_330 : vector<1x16xf32> to vector<16xf32>
    %swap3A_332 = vector.shape_cast %add3A_326 : vector<16xf32> to vector<1x16xf32>
    tpu.vector_store %arg9[%swap3A_328, %swap3A_329], %swap3A_332 {strides = array<i32>} : memref<128x64xf32, #tpu.memory_space<vmem>>, vector<1x16xf32>,
    %add3A_333 = arith.addf %scan3A_317#4, %scan3A_317#5 : vector<16xf32>
    %swap3A_334 = arith.constant 127 : i32
    %swap3A_335 = arith.index_cast %swap3A_334 : i32 to index
    %swap3A_336 = arith.constant 32 : index
    %swap3A_337 = tpu.vector_load %arg9[%swap3A_335, %swap3A_336] {strides = array<i32>} : memref<128x64xf32, #tpu.memory_space<vmem>>, vector<1x16xf32>,
    %swap3A_338 = vector.shape_cast %swap3A_337 : vector<1x16xf32> to vector<16xf32>
    %swap3A_339 = vector.shape_cast %add3A_333 : vector<16xf32> to vector<1x16xf32>
    tpu.vector_store %arg9[%swap3A_335, %swap3A_336], %swap3A_339 {strides = array<i32>} : memref<128x64xf32, #tpu.memory_space<vmem>>, vector<1x16xf32>,
    %add3A_340 = arith.addf %scan3A_317#6, %scan3A_317#7 : vector<16xf32>
    %swap3A_341 = arith.constant 127 : i32
    %swap3A_342 = arith.index_cast %swap3A_341 : i32 to index
    %swap3A_343 = arith.constant 48 : index
    %swap3A_344 = tpu.vector_load %arg9[%swap3A_342, %swap3A_343] {strides = array<i32>} : memref<128x64xf32, #tpu.memory_space<vmem>>, vector<1x16xf32>,
    %swap3A_345 = vector.shape_cast %swap3A_344 : vector<1x16xf32> to vector<16xf32>
    %swap3A_346 = vector.shape_cast %add3A_340 : vector<16xf32> to vector<1x16xf32>
    tpu.vector_store %arg9[%swap3A_342, %swap3A_343], %swap3A_346 {strides = array<i32>} : memref<128x64xf32, #tpu.memory_space<vmem>>, vector<1x16xf32>,
    "tpu.region"() ({
      %run_scoped3A = tpu.sem_alloc : memref<!tpu.dma_semaphore, #tpu.memory_space<semaphore_mem>>
      %dma_start3A_347 = arith.constant 0 : i32
      %dma_start3A_348 = tpu.memref_slice %arg4[%mul3A_2, %dma_start3A_347] : memref<4096x64xf32, #tpu.memory_space<hbm>> -> memref<128x64xf32, #tpu.memory_space<hbm>>
      %dma_start3A_349 = arith.constant 0 : i32
      %dma_start3A_350 = tpu.memref_slice %arg4[%mul3A_2, %dma_start3A_349] : memref<4096x64xf32, #tpu.memory_space<hbm>> -> memref<128x64xf32, #tpu.memory_space<hbm>>
      tpu.enqueue_dma source(%arg9 : memref<128x64xf32, #tpu.memory_space<vmem>>) target(%dma_start3A_350 : memref<128x64xf32, #tpu.memory_space<hbm>>) target_semaphore(%run_scoped3A : memref<!tpu.dma_semaphore, #tpu.memory_space<semaphore_mem>>)
      %dma_wait3A_351 = arith.constant 0 : i32
      %dma_wait3A_352 = tpu.memref_slice %arg4[%mul3A_2, %dma_wait3A_351] : memref<4096x64xf32, #tpu.memory_space<hbm>> -> memref<128x64xf32, #tpu.memory_space<hbm>>
      %dma_wait3A_353 = arith.constant 0 : i32
      %dma_wait3A_354 = tpu.memref_slice %arg4[%mul3A_2, %dma_wait3A_353] : memref<4096x64xf32, #tpu.memory_space<hbm>> -> memref<128x64xf32, #tpu.memory_space<hbm>>
      tpu.wait_dma2 semaphore(%run_scoped3A : memref<!tpu.dma_semaphore, #tpu.memory_space<semaphore_mem>>) src(%arg9 : memref<128x64xf32, #tpu.memory_space<vmem>>) dst(%dma_wait3A_354 : memref<128x64xf32, #tpu.memory_space<hbm>>)
      tpu.yield
    }) : () -> ()
    return
  }
}

module attributes {stable_mosaic.version = 14 : i64} {
  func.func @_mlp_body(%arg0: memref<4096x64xf32, #tpu.memory_space<vmem>>, %arg1: memref<256x64xf32, #tpu.memory_space<vmem>>, %arg2: memref<1x256xf32, #tpu.memory_space<vmem>>, %arg3: memref<256x256xf32, #tpu.memory_space<vmem>>, %arg4: memref<1x256xf32, #tpu.memory_space<vmem>>, %arg5: memref<128x256xf32, #tpu.memory_space<vmem>>, %arg6: memref<1x128xf32, #tpu.memory_space<vmem>>, %arg7: memref<4096x128xf32, #tpu.memory_space<vmem>>) attributes {dimension_semantics = [], scalar_prefetch = 0 : i64, scratch_operands = 0 : i64, tpu.core_type = #tpu.core_type<tc>} {
    %get3A = arith.constant 0 : index
    %get3A_0 = arith.constant 0 : index
    %get3A_1 = vector.load %arg0[%get3A, %get3A_0] : memref<4096x64xf32, #tpu.memory_space<vmem>>, vector<4096x64xf32>
    %get3A_2 = arith.constant 0 : index
    %get3A_3 = arith.constant 0 : index
    %get3A_4 = vector.load %arg1[%get3A_2, %get3A_3] : memref<256x64xf32, #tpu.memory_space<vmem>>, vector<256x64xf32>
    %dot_general3A = arith.constant dense<0.000000e+00> : vector<4096x256xf32>
    %dot_general3A_5 = tpu.matmul %get3A_1, %get3A_4, %dot_general3A {dimension_numbers = #tpu.dot_dimension_numbers<[1], [1], [0], [0], [0, 0, 1, 0], [], []>, transpose_lhs_hint = false} : vector<4096x64xf32>, vector<256x64xf32>, vector<4096x256xf32> -> vector<4096x256xf32>
    %get3A_6 = arith.constant 0 : index
    %get3A_7 = arith.constant 0 : index
    %get3A_8 = vector.load %arg2[%get3A_6, %get3A_7] : memref<1x256xf32, #tpu.memory_space<vmem>>, vector<1x256xf32>
    %add3A = vector.broadcast %get3A_8 : vector<1x256xf32> to vector<4096x256xf32>
    %add3A_9 = arith.addf %dot_general3A_5, %add3A : vector<4096x256xf32>
    %max3A = arith.constant 0.000000e+00 : f32
    %max3A_10 = vector.broadcast %max3A : f32 to vector<4096x256xf32>
    %max3A_11 = arith.maximumf %add3A_9, %max3A_10 : vector<4096x256xf32>
    %get3A_12 = arith.constant 0 : index
    %get3A_13 = arith.constant 0 : index
    %get3A_14 = vector.load %arg3[%get3A_12, %get3A_13] : memref<256x256xf32, #tpu.memory_space<vmem>>, vector<256x256xf32>
    %dot_general3A_15 = arith.constant dense<0.000000e+00> : vector<4096x256xf32>
    %dot_general3A_16 = tpu.matmul %max3A_11, %get3A_14, %dot_general3A_15 {dimension_numbers = #tpu.dot_dimension_numbers<[1], [1], [0], [0], [0, 0, 1, 0], [], []>, transpose_lhs_hint = false} : vector<4096x256xf32>, vector<256x256xf32>, vector<4096x256xf32> -> vector<4096x256xf32>
    %get3A_17 = arith.constant 0 : index
    %get3A_18 = arith.constant 0 : index
    %get3A_19 = vector.load %arg4[%get3A_17, %get3A_18] : memref<1x256xf32, #tpu.memory_space<vmem>>, vector<1x256xf32>
    %add3A_20 = vector.broadcast %get3A_19 : vector<1x256xf32> to vector<4096x256xf32>
    %add3A_21 = arith.addf %dot_general3A_16, %add3A_20 : vector<4096x256xf32>
    %max3A_22 = arith.constant 0.000000e+00 : f32
    %max3A_23 = vector.broadcast %max3A_22 : f32 to vector<4096x256xf32>
    %max3A_24 = arith.maximumf %add3A_21, %max3A_23 : vector<4096x256xf32>
    %get3A_25 = arith.constant 0 : index
    %get3A_26 = arith.constant 0 : index
    %get3A_27 = vector.load %arg5[%get3A_25, %get3A_26] : memref<128x256xf32, #tpu.memory_space<vmem>>, vector<128x256xf32>
    %dot_general3A_28 = arith.constant dense<0.000000e+00> : vector<4096x128xf32>
    %dot_general3A_29 = tpu.matmul %max3A_24, %get3A_27, %dot_general3A_28 {dimension_numbers = #tpu.dot_dimension_numbers<[1], [1], [0], [0], [0, 0, 1, 0], [], []>, transpose_lhs_hint = false} : vector<4096x256xf32>, vector<128x256xf32>, vector<4096x128xf32> -> vector<4096x128xf32>
    %get3A_30 = arith.constant 0 : index
    %get3A_31 = arith.constant 0 : index
    %get3A_32 = vector.load %arg6[%get3A_30, %get3A_31] : memref<1x128xf32, #tpu.memory_space<vmem>>, vector<1x128xf32>
    %add3A_33 = vector.broadcast %get3A_32 : vector<1x128xf32> to vector<4096x128xf32>
    %add3A_34 = arith.addf %dot_general3A_29, %add3A_33 : vector<4096x128xf32>
    %swap3A = arith.constant 0 : index
    %swap3A_35 = arith.constant 0 : index
    %swap3A_36 = vector.load %arg7[%swap3A, %swap3A_35] : memref<4096x128xf32, #tpu.memory_space<vmem>>, vector<4096x128xf32>
    tpu.vector_store %arg7[%swap3A, %swap3A_35], %add3A_34 {strides = array<i32>} : memref<4096x128xf32, #tpu.memory_space<vmem>>, vector<4096x128xf32>,
    return
  }
}

</mosaic_0001>

<sc_bundles>
// kernel: kernel.4.cloned.1.call-start
scs
__scs_entry_jumppad:
0x0: {  	(pc) =	sbr.rel $0x88, $3  }
0x1: {  	(tag) =	ssettag $0x0;
	lr =	simm.s32 $0x1  }
0x2: {  	[smem:$0x3F99] =	sst lr;
	_ =	strace $0xD0000000  }
0x3: {  	_ = 	snop  }
0x4: {  	_ = 	snop  }
0x5: {  	_ = 	snop  }
0x6: {  	_ = 	snop  }
0x7: {  	_ = 	snop  }
__scs_overlays_trampoline_lowered:
0x8: {  	[smem:$0x3FA8] =	sst s0  }
0x9: {  	[smem:$0x3FA9] =	sst s1  }
0xa: {  	[smem:$0x3FAA] =	sst s2  }
0xb: {  	[smem:$0x3FAB] =	sst s3  }
0xc: {  	[smem:$0x3FAC] =	sst s4  }
0xd: {  	[smem:$0x3FAD] =	sst s5  }
0xe: {  	[smem:$0x3FAE] =	sst s6  }
0xf: {  	[smem:$0x3FAF] =	sst s7  }
0x10: {  	[smem:$0x3FB0] =	sst s8  }
0x11: {  	[smem:$0x3FB1] =	sst s9;
	s0 =	simm.s32 @!p0 $0x0  }
0x12: {  	s1 =	sld [smem:$0x3F97];
	s0 =	simm.s32 @p0 $0x1  }
0x13: {  	[smem:$0x3FB2] =	sst s0;
	s0 =	simm.s32 @!p1 $0x0  }
0x14: {  	s2 =	sld [smem:$0x3F96];
	s0 =	simm.s32 @p1 $0x1  }
0x15: {  	[smem:$0x3FB3] =	sst s0;
	s0 =	simm.s32 @!p2 $0x0  }
0x16: {  	s3 =	sld [smem:$0x3FDB];
	s0 =	simm.s32 @p2 $0x1  }
0x17: {  	s4 =	simm.s32 $0x1BF5;
	[smem:$0x3FB5] =	sst s0  }
0x18: {  	s0 =	sld [smem:$0x3F98];
	_ =	swait.ge [sflag:s4], $0x0  }
0x19: {  	s7 =	sld [smem:$0x3F99]  }
0x1a: {  	s8 =	sadd.s32 $0xFFFFE003, lr  }
0x1b: {  	s9 =	sadd.s32 $0xFFFFFEF7, lr;
	s5 =	simm.s32 $0xFFFFFFFF;
	p2 =	slt.u32 s8, $0xFFFFF086  }
0x1c: {  	p1 =	slt.u32 s9, $0xF7A;
	s5 =	simm.s32 @!p2 $0x0  }
0x1d: {  	s5 =	simm.s32 @p1 $0x1;
	p0 =	seq.s32 s7, s2  }
0x1e: {  	s7 =	smul.u32 @!p0 $0xF7A, s2;
	p2 =	seq.s32 @!p0 s5, $0x0  }
0x1f: {  	s9 =	smul.u32 $0xF7A, s1;
	s8 =	simm.s32 @!p0 $0x1BF5;
	p2 =	por !p2, p0  }
0x20: {  	[sflag:s8] =	ssyncset.s32 @!p0 $0xFFFFF086;
	s6 =	sadd.s32 @!p0 s3, s7;
	s7 =	simm.s32 @!p0 $0x108  }
0x21: {  	s3 =	sadd.s32 s3, s9;
	s6 =	sadd.s32 @!p0 $0x88, s6;
	s7 =	simm.s32 @p2 $0x1082  }
0x22: {  	[simem:s7], [sflag:s8] =	dma.local @!p0 [hbm:s6], $0xF7A  }
0x23: {  	s9 =	sor.u32 $0xD0000000, s2;
	s6 =	simm.s32 $0x108;
	_ =	swait.ge @!p0 [sflag:s8], $0x0  }
0x24: {  	s3 =	sadd.s32 $0x88, s3;
	s6 =	simm.s32 @!p1 $0x1082;
	[sflag:s4] =	ssyncset.s32 $0xFFFFF086  }
0x25: {  	[simem:s6], [sflag:s4] =	dma.local [hbm:s3], $0xF7A  }
0x26: {  	[smem:$0x3F99] =	sst s1;
	(tag) =	ssettag s2;
	_ =	strace s9  }
0x27: {  	s1 =	sld [smem:$0x3FA9]  }
0x28: {  	s2 =	sld [smem:$0x3FAA]  }
0x29: {  	s4 =	sld [smem:$0x3FAC]  }
0x2a: {  	p0 =	seq.s32 s5, $0x0;
	s5 =	sld [smem:$0x3FAD]  }
0x2b: {  	s6 =	sld [smem:$0x3FAE]  }
0x2c: {  	s7 =	sld [smem:$0x3FAF]  }
0x2d: {  	s3 =	simm.s32 $0x108;
	s8 =	sld [smem:$0x3FB0]  }
0x2e: {  	s3 =	simm.s32 @!p0 $0x1082;
	s9 =	sld [smem:$0x3FB1]  }
0x2f: {  	lr =	sadd.s32 s0, s3;
	s0 =	sld [smem:$0x3FA8]  }
0x30: {  	s3 =	sld [smem:$0x3FAB]  }
0x31: {  	[smem:$0x3FB4] =	sst s10  }
0x32: {  	s10 =	sld [smem:$0x3FB2];
	_ =	sdelay $0x3  }
0x33: {  	p0 =	seq.s32 s10, $0x1;
	s10 =	sld [smem:$0x3FB4];
	_ =	sdelay $0x3  }
0x34: {  	[smem:$0x3FB4] =	sst s10  }
0x35: {  	s10 =	sld [smem:$0x3FB3];
	_ =	sdelay $0x3  }
0x36: {  	p1 =	seq.s32 s10, $0x1;
	s10 =	sld [smem:$0x3FB4];
	_ =	sdelay $0x3  }
0x37: {  	[smem:$0x3FB4] =	sst s10  }
0x38: {  	s10 =	sld [smem:$0x3FB5]  }
0x39: {  	_ = 	snop;
	(pc) =	sbr.ind lr, $3  }
0x3a: {  	_ = 	snop  }
0x3b: {  	_ = 	snop  }
0x3c: {  	p2 =	seq.s32 s10, $0x1;
	s10 =	sld [smem:$0x3FB4]  }
0x3d: {  	_ =	shalt  }
0x3e: {  	_ =	shalt  }
0x3f: {  	_ =	shalt  }
0x40: {  	_ =	shalt  }
0x41: {  	_ =	shalt  }
0x42: {  	_ =	shalt  }
0x43: {  	_ =	shalt  }
0x44: {  	_ =	shalt  }
0x45: {  	_ =	shalt  }
0x46: {  	_ =	shalt  }
0x47: {  	_ =	shalt  }
0x48: {  	_ =	shalt  }
0x49: {  	_ =	shalt  }
0x4a: {  	_ =	shalt  }
0x4b: {  	_ =	shalt  }
0x4c: {  	_ =	shalt  }
0x4d: {  	_ =	shalt  }
0x4e: {  	_ =	shalt  }
0x4f: {  	_ =	shalt  }
0x50: {  	_ =	shalt  }
0x51: {  	_ =	shalt  }
0x52: {  	_ =	shalt  }
0x53: {  	_ =	shalt  }
0x54: {  	_ =	shalt  }
0x55: {  	_ =	shalt  }
0x56: {  	_ =	shalt  }
0x57: {  	_ =	shalt  }
0x58: {  	_ =	shalt  }
0x59: {  	_ =	shalt  }
0x5a: {  	_ =	shalt  }
0x5b: {  	_ =	shalt  }
0x5c: {  	_ =	shalt  }
0x5d: {  	_ =	shalt  }
0x5e: {  	_ =	shalt  }
0x5f: {  	_ =	shalt  }
0x60: {  	_ =	shalt  }
0x61: {  	_ =	shalt  }
0x62: {  	_ =	shalt  }
0x63: {  	_ =	shalt  }
0x64: {  	_ =	shalt  }
0x65: {  	_ =	shalt  }
0x66: {  	_ =	shalt  }
0x67: {  	_ =	shalt  }
0x68: {  	_ =	shalt  }
0x69: {  	_ =	shalt  }
0x6a: {  	_ =	shalt  }
0x6b: {  	_ =	shalt  }
0x6c: {  	_ =	shalt  }
0x6d: {  	_ =	shalt  }
0x6e: {  	_ =	shalt  }
0x6f: {  	_ =	shalt  }
0x70: {  	_ =	shalt  }
0x71: {  	_ =	shalt  }
0x72: {  	_ =	shalt  }
0x73: {  	_ =	shalt  }
0x74: {  	_ =	shalt  }
0x75: {  	_ =	shalt  }
0x76: {  	_ =	shalt  }
0x77: {  	_ =	shalt  }
0x78: {  	_ =	shalt  }
0x79: {  	_ =	shalt  }
0x7a: {  	_ =	shalt  }
0x7b: {  	_ =	shalt  }
0x7c: {  	_ =	shalt  }
0x7d: {  	_ =	shalt  }
0x7e: {  	_ =	shalt  }
0x7f: {  	_ =	shalt  }
0x80: {  	_ =	shalt  }
0x81: {  	_ =	shalt  }
0x82: {  	_ =	shalt  }
0x83: {  	_ =	shalt  }
0x84: {  	_ =	shalt  }
0x85: {  	_ =	shalt  }
0x86: {  	_ =	shalt  }
0x87: {  	_ =	shalt  }
.Lfunc_end0:
.L_simem_size_0:
called_computation_lowered:
.L_overlay_start_0:
0x88: {  	s2 =	sld [smem:$0x3FD9]  }
0x89: {  	s3 =	sld [smem:$0x3FFE];
	_ =	sdelay $0x1  }
0x8a: {  	s1 =	srdreg.scid  }
0x8b: {  	s0 =	sand.u32 $0x1, s1  }
0x8c: {  	s16 =	sshll.u32 s0, $0xA;
	s2 =	sadd.s32 s3, s2  }
0x8d: {  	s2 =	sadd.s32 s2, s16  }
0x8e: {  	[smem:$0x3FC0] =	sst s2  }
0x8f: {  	_ = 	snop  }
0x90: {  	(tm) =	ssettm $0x1  }
0x91: {  	s17 =	sld [smem:$0x3FFB];
	_ =	sdelay $0x3  }
0x92: {  	_ =	strace s17  }
0x93: {  	s2 =	sld [smem:$0x3FFC];
	_ =	sdelay $0x3  }
0x94: {  	_ =	strace s2  }
0x95: {  	s2 =	sld [smem:$0x3FFD];
	_ =	sdelay $0x3  }
0x96: {  	_ =	strace s2  }
0x97: {  	_ =	strace $0x8FFFFFFF  }
0x98: {  	s18 =	sld [smem:$0x3FDB];
	_ =	sdelay $0x1  }
0x99: {  	s19 =	simm.s32 $_scs_section_size  }
0x9a: {  	s4 =	simm.s32 $_size__tile_overlayer_lowered;
	s5 =	simm.s32 $_tile_overlayer_lowered  }
0x9b: {  	s22 =	simm.s32 $0x1BFF;
	s21 =	sshll.u32 s5, $0x1;
	s2 =	sadd.s32 s19, s18  }
0x9c: {  	s6 =	simm.s32 $0x0;
	s20 =	sshll.u32 s4, $0x1;
	s4 =	sadd.s32 s21, s2  }
0x9d: {  	[timem:s6], [sflag:s22] =	dma.local [hbm:s4], s20  }
0x9e: {  	_ =	swait.ge [sflag:s22], s20  }
0x9f: {  	s3 =	ssub.s32 $0x0, s20;
	[sflag:s22] =	ssyncset.done $0x0  }
0xa0: {  	[sflag:s22] =	ssyncadd.s32 s3;
	_ =	sdelay $0x1  }
0xa1: {  	s23 =	simm.s32 $0x1B8B  }
0xa2: {  	_ =	swait.ge [sflag:s23], $0x1  }
0xa3: {  	[sflag:s23] =	ssyncset.done $0x0  }
0xa4: {  	s25 =	simm.s32 $0x1B8E;
	s24 =	sld [smem:$0x3FFE];
	[sflag:s23] =	ssyncadd.s32 $0xFFFFFFFF  }
0xa5: {  	s26 =	simm.s32 $execute0_lowered;
	[smem:$0x3FD2] =	sst s25  }
0xa6: {  	s4 =	sshll.u32 s26, $0x1;
	_ =	strace $0x80000046;
	[dreg:$0x1] =	wrdreg $0xFFFFFFFF  }
0xa7: {  	s28 =	simm.s32 $_size_execute0_lowered;
	s2 =	sadd.s32 s2, s4;
	[dreg:$0x0] =	wrdreg $0x0  }
0xa8: {  	s4 =	sshll.u32 s28, $0x1;
	[dreg:$0x2] =	wrdreg s2  }
0xa9: {  	[dreg:$0x3] =	wrdreg s4  }
0xaa: {  	[dreg:$0x4] =	wrdreg $0xC0  }
0xab: {  	_ =	task [dreg:s6], $0x5FFFF  }
0xac: {  	[dreg:$0x1] =	wrdreg $0xFFFFFFFF  }
0xad: {  	[dreg:$0x0] =	wrdreg $0x60  }
0xae: {  	[dreg:$0x2] =	wrdreg s24  }
0xaf: {  	[dreg:$0x3] =	wrdreg $0x9  }
0xb0: {  	_ =	task.clear_ibuf [dreg:s6], $0x4FFFF;
	_ =	strace $0x90000046  }
0xb1: {  	s29 =	simm.s32 $0x9;
	_ =	strace $0x80000048  }
0xb2: {  	_ =	swait.ge [sflag:s29], $0x1  }
0xb3: {  	[sflag:s29] =	ssyncadd.s32 $0xFFFFFFFF  }
0xb4: {  	_ =	strace $0x90000048  }
0xb5: {  	_ =	sfence  }
0xb6: {  	s30 =	sld [smem:$0x0];
	_ =	sdelay $0x2  }
0xb7: {  	s31 =	sshll.u32 s1, $0xD;
	s1 =	sshrl.u32 s1, $0x2  }
0xb8: {  	s3 =	sand.u32 $0x4000, s31;
	s1 =	sadd.s32 s1, s30  }
0xb9: {  	s0 =	sor.u32 s3, s0;
	s1 =	sshll.u32 s1, $0x11  }
0xba: {  	s0 =	sor.u32 s1, s0  }
0xbb: {  	s0 =	sadd.s32 $0x8F2B, s0  }
0xbc: {  	[sflag:s0] =	ssyncadd.remote.s32 $0x1  }
0xbd: {  	_ =	sfence.sel $0xFFFF  }
0xbe: {  	[dreg:$0x0] =	wrdreg $0xFFFFFFFF;
	(pc) =	sbr.abs _section_cstart, $3  }
0xbf: {  	[dreg:$0x1] =	wrdreg $0xFFFFFFFF  }
0xc0: {  	_ =	task.clear_ibuf [dreg:s6], $0x2FFFF;
	_ =	strace $0x9FFFFFFF  }
0xc1: {  	(tm) =	ssettm $0x7FFFFFFF  }
tec
execute0_lowered:
.L_overlay_start_1:
0x0: {  	(tag) =	ssettag $0x1  }
0x1: {  	s0 =	srdreg.scid  }
0x2: {  	s1 =	stileid.u32;
	s4 =	rddreg [dreg:$0x0]  }
0x3: {  	s2 =	simm.s32 $0x0;
	s7 =	simm.s32 $0x4;
	s8 =	simm.s32 $0x80  }
0x4: {  	s9 =	simm.s32 $0x6400;
	s10 =	simm.s32 $0x48;
	s11 =	simm.s32 $0x8400  }
0x5: {  	s12 =	simm.s32 $0xC8;
	s13 =	simm.s32 $0x9600;
	s14 =	simm.s32 $0x148  }
0x6: {  	s15 =	simm.s32 $0xB600;
	s16 =	simm.s32 $0x190;
	s17 =	simm.s32 $0xC800  }
0x7: {  	s18 =	simm.s32 $0x210;
	s19 =	simm.s32 $0xE800;
	s20 =	simm.s32 $0x1  }
0x8: {  	s21 =	simm.s32 $0x2;
	s22 =	simm.s32 $0x3;
	s23 =	simm.s32 $0x6270  }
0x9: {  	s24 =	simm.s32 $0x62F0;
	s25 =	simm.s32 $0x6338;
	s26 =	simm.s32 $0x63B8  }
0xa: {  	s28 =	simm.s32 $0xFA00;
	s0 =	sand.u32 $0x1, s0;
	s1 =	sshll.u32 s1, $0x1  }
0xb: {  	s29 =	simm.s32 $0x0;
	[smem:$0x7FF] =	sst s2;
	s1 =	sor.u32 s0, s1  }
0xc: {  	s0 =	ssub.s32 $0x2, s0;
	s3 =	smul.u32 $0xC80, s1;
	s1 =	sshll.u32 s1, $0xA  }
0xd: {  	_ =	strace $0x80000047;
	s6 =	sshrl.u32 s0, $0x1;
	s1 =	sadd.s32 s1, s4  }
0xe: {  	s0 =	ssub.s32 s0, s6;
	s5 =	sadd.s32 s3, s4;
	s3 =	sadd.s32 $0xF43000, s4  }
0xf: {  	s6 =	smax.u32 s0, $0x1;
	s4 =	sadd.s32 $0xC00, s5;
	s5 =	sadd.s32 $0x19C00, s1  }
.LBB2_1:
0x10: {  	[tilespmem:s2], [sflag:$0x4] =	stream.linear.gather [hbm4b:s4+s2], $0x6400, $0x38;
	[tilespmem:$0x11A00] =	vst v63  }
0x11: {  	_ =	swait.ge [sflag:s7], $0x6400  }
0x12: {  	[sflag:s7] =	ssyncset.done $0x0  }
0x13: {  	[sflag:s7] =	ssyncadd.s32 $0xFFFF9C00  }
0x14: {  	[tilespmem:s9], [sflag:$0x1] =	stream.indirect.gather [hbm4b:s3+s8], $0x40, s2, s8, $0xb8;
	[tilespmem:$0x11A00] =	vst v63  }
0x15: {  	_ = 	snop  }
0x16: {  	[tilespmem:s11], [sflag:$0x1] =	stream.indirect.gather [hbm4b:s3+s10], $0x40, s8, s10, $0xb8;
	[tilespmem:$0x11A00] =	vst v63  }
0x17: {  	_ = 	snop  }
0x18: {  	[tilespmem:s13], [sflag:$0x2] =	stream.indirect.gather [hbm4b:s3+s8], $0x40, s12, s8, $0xb8;
	[tilespmem:$0x11A00] =	vst v63  }
0x19: {  	_ = 	snop  }
0x1a: {  	[tilespmem:s15], [sflag:$0x2] =	stream.indirect.gather [hbm4b:s3+s10], $0x40, s14, s10, $0xb8;
	[tilespmem:$0x11A00] =	vst v63  }
0x1b: {  	_ = 	snop  }
0x1c: {  	[tilespmem:s17], [sflag:$0x3] =	stream.indirect.gather [hbm4b:s3+s8], $0x40, s16, s8, $0xb8;
	[tilespmem:$0x11A00] =	vst v63  }
0x1d: {  	s30 =	simm.s32 $0x0  }
0x1e: {  	[tilespmem:s19], [sflag:$0x3] =	stream.indirect.gather [hbm4b:s3+s10], $0x40, s18, s10, $0xb8;
	[tilespmem:$0x11A00] =	vst v63  }
.LBB2_2:
0x1f: {  	_ =	swait.ge [sflag:s20], $0x2000  }
0x20: {  	[sflag:s20] =	ssyncset.done $0x0  }
0x21: {  	[sflag:s20] =	ssyncadd.s32 $0xFFFFE000  }
0x22: {  	_ =	swait.ge [sflag:s20], $0x1200  }
0x23: {  	[sflag:s20] =	ssyncset.done $0x0  }
0x24: {  	s31 =	simm.s32 $0x0;
	[sflag:s20] =	ssyncadd.s32 $0xFFFFEE00  }
0x25: {  	v2 =	vld [tilespmem:s31+$0x6480]  }
0x26: {  	v4 =	vld [tilespmem:s31+$0x6490]  }
0x27: {  	v3 =	vld [tilespmem:s31+$0x64A0]  }
0x28: {  	v5 =	vld [tilespmem:s31+$0x64B0]  }
0x29: {  	v0 =	vld [tilespmem:s31+$0x64C0]  }
0x2a: {  	v1 =	vld [tilespmem:s31+$0x64D0]  }
0x2b: {  	v18 =	vld [tilespmem:s31+$0x6400]  }
0x2c: {  	v20 =	vld [tilespmem:s31+$0x6410]  }
0x2d: {  	v17 =	vld [tilespmem:s31+$0x6420]  }
0x2e: {  	v19 =	vld [tilespmem:s31+$0x6430]  }
0x2f: {  	v10 =	vimm.f32 $0.0e+00;
	v11 =	vimm.f32 $0.0e+00;
	v14 =	vld [tilespmem:s31+$0x6440]  }
0x30: {  	v12 =	vimm.f32 $0.0e+00;
	v13 =	vimm.f32 $0.0e+00;
	v6 =	vimm.f32 $0.0e+00;
	v15 =	vld [tilespmem:s31+$0x6450]  }
0x31: {  	s1 =	simm.s32 $0x400;
	v8 =	vimm.f32 $0.0e+00;
	v9 =	vimm.f32 $0.0e+00;
	v7 =	vimm.f32 $0.0e+00;
	v16 =	vld [tilespmem:s31+$0x6460]  }
.LBB2_3:
0x32: {  	p0 =	sne.s32 s1, $0xC400;
	v10 =	vadd.f32 v18, v10;
	v11 =	vadd.f32 v20, v11;
	v18 =	vld [tilespmem:s31+$0x6470]  }
0x33: {  	v12 =	vadd.f32 v17, v12;
	v13 =	vadd.f32 v19, v13;
	v17 =	vld [tilespmem:s31+$0x64E0]  }
0x34: {  	v10 =	vadd.f32 v2, v10;
	v11 =	vadd.f32 v4, v11;
	v19 =	vld [tilespmem:s31+$0x64F0];
	s31 =	sshra.s32 s1, $0x2  }
0x35: {  	v12 =	vadd.f32 v3, v12;
	v2 =	vld [tilespmem:s31+$0x6480];
	v13 =	vadd.f32 v5, v13  }
0x36: {  	v6 =	vadd.f32 v14, v6;
	v8 =	vadd.f32 v15, v8;
	v4 =	vld [tilespmem:s31+$0x6490]  }
0x37: {  	v9 =	vadd.f32 v16, v9;
	v3 =	vld [tilespmem:s31+$0x64A0];
	v7 =	vadd.f32 v18, v7  }
0x38: {  	v6 =	vadd.f32 v0, v6;
	v8 =	vadd.f32 v1, v8;
	v5 =	vld [tilespmem:s31+$0x64B0]  }
0x39: {  	v9 =	vadd.f32 v17, v9;
	v0 =	vld [tilespmem:s31+$0x64C0];
	v7 =	vadd.f32 v19, v7  }
0x3a: {  	v1 =	vld [tilespmem:s31+$0x64D0]  }
0x3b: {  	v18 =	vld [tilespmem:s31+$0x6400]  }
0x3c: {  	v20 =	vld [tilespmem:s31+$0x6410]  }
.Ltmp0:
0x3d: {  	v17 =	vld [tilespmem:s31+$0x6420];
	(pc) =	sbr.rel @p0 .LBB2_3-.Ltmp0, $4  }
0x3e: {  	v19 =	vld [tilespmem:s31+$0x6430]  }
0x3f: {  	v14 =	vld [tilespmem:s31+$0x6440]  }
0x40: {  	v15 =	vld [tilespmem:s31+$0x6450]  }
0x41: {  	s1 =	sadd.s32 $0x400, s1;
	v16 =	vld [tilespmem:s31+$0x6460]  }
0x42: {  	v10 =	vadd.f32 v18, v10;
	v11 =	vadd.f32 v20, v11  }
0x43: {  	v18 =	vld [tilespmem:s31+$0x6470];
	v12 =	vadd.f32 v17, v12;
	v13 =	vadd.f32 v19, v13  }
0x44: {  	v17 =	vld [tilespmem:s31+$0x64E0];
	v2 =	vadd.f32 v2, v10;
	v4 =	vadd.f32 v4, v11  }
0x45: {  	v10 =	vld [tilespmem:s31+$0x64F0];
	v3 =	vadd.f32 v3, v12;
	v6 =	vadd.f32 v14, v6  }
0x46: {  	v5 =	vadd.f32 v5, v13;
	v8 =	vadd.f32 v15, v8  }
0x47: {  	v9 =	vadd.f32 v16, v9;
	v0 =	vadd.f32 v0, v6  }
0x48: {  	s0 =	smul.u32 $0x300, s30;
	v6 =	vadd.f32 v18, v7;
	v1 =	vadd.f32 v1, v8  }
0x49: {  	v7 =	vadd.f32 v17, v9;
	v0 =	vadd.f32 v0, v2  }
0x4a: {  	s0 =	sshra.s32 s0, $0x2;
	v2 =	vadd.f32 v10, v6;
	v1 =	vadd.f32 v1, v4  }
0x4b: {  	s1 =	smul.u32 $0x960, s30;
	[tilespmem:s0+$0xFA00] =	vst v0;
	v0 =	vadd.f32 v7, v3  }
0x4c: {  	[tilespmem:s0+$0xFA10] =	vst v1;
	v1 =	vadd.f32 v2, v5  }
0x4d: {  	s1 =	sshra.s32 s1, $0x2;
	[tilespmem:s0+$0xFA20] =	vst v0  }
0x4e: {  	[tilespmem:s0+$0xFA30] =	vst v1;
	s0 =	sadd.s32 $0x258, s1  }
0x4f: {  	[tilespmem:s9], [sflag:$0x1] =	stream.indirect.gather [hbm4b:s3+s8], $0x40, s0, s8, $0xb8;
	[tilespmem:$0x11A00] =	vst v63  }
0x50: {  	s1 =	sadd.s32 $0x2D8, s1  }
0x51: {  	[tilespmem:s11], [sflag:$0x1] =	stream.indirect.gather [hbm4b:s3+s10], $0x40, s1, s10, $0xb8;
	[tilespmem:$0x11A00] =	vst v63  }
0x52: {  	_ =	swait.ge [sflag:s21], $0x2000  }
0x53: {  	[sflag:s21] =	ssyncset.done $0x0  }
0x54: {  	[sflag:s21] =	ssyncadd.s32 $0xFFFFE000  }
0x55: {  	_ =	swait.ge [sflag:s21], $0x1200  }
0x56: {  	[sflag:s21] =	ssyncset.done $0x0  }
0x57: {  	s31 =	simm.s32 $0x0;
	[sflag:s21] =	ssyncadd.s32 $0xFFFFEE00  }
0x58: {  	v2 =	vld [tilespmem:s31+$0x9680]  }
0x59: {  	v4 =	vld [tilespmem:s31+$0x9690]  }
0x5a: {  	v3 =	vld [tilespmem:s31+$0x96A0]  }
0x5b: {  	v5 =	vld [tilespmem:s31+$0x96B0]  }
0x5c: {  	v0 =	vld [tilespmem:s31+$0x96C0]  }
0x5d: {  	v1 =	vld [tilespmem:s31+$0x96D0]  }
0x5e: {  	v18 =	vld [tilespmem:s31+$0x9600]  }
0x5f: {  	v20 =	vld [tilespmem:s31+$0x9610]  }
0x60: {  	v17 =	vld [tilespmem:s31+$0x9620]  }
0x61: {  	v19 =	vld [tilespmem:s31+$0x9630]  }
0x62: {  	v11 =	vimm.f32 $0.0e+00;
	v12 =	vimm.f32 $0.0e+00;
	v14 =	vld [tilespmem:s31+$0x9640]  }
0x63: {  	v13 =	vimm.f32 $0.0e+00;
	v8 =	vimm.f32 $0.0e+00;
	v9 =	vimm.f32 $0.0e+00;
	v15 =	vld [tilespmem:s31+$0x9650]  }
0x64: {  	v10 =	vimm.f32 $0.0e+00;
	v6 =	vimm.f32 $0.0e+00;
	v7 =	vimm.f32 $0.0e+00;
	s1 =	simm.s32 $0x400;
	v16 =	vld [tilespmem:s31+$0x9660]  }
.LBB2_5:
0x65: {  	p0 =	sne.s32 s1, $0xC400;
	v10 =	vadd.f32 v18, v10;
	v11 =	vadd.f32 v20, v11;
	v18 =	vld [tilespmem:s31+$0x9670]  }
0x66: {  	v12 =	vadd.f32 v17, v12;
	v13 =	vadd.f32 v19, v13;
	v17 =	vld [tilespmem:s31+$0x96E0]  }
0x67: {  	v10 =	vadd.f32 v2, v10;
	v11 =	vadd.f32 v4, v11;
	v19 =	vld [tilespmem:s31+$0x96F0];
	s31 =	sshra.s32 s1, $0x2  }
0x68: {  	v12 =	vadd.f32 v3, v12;
	v2 =	vld [tilespmem:s31+$0x9680];
	v13 =	vadd.f32 v5, v13  }
0x69: {  	v7 =	vadd.f32 v14, v7;
	v9 =	vadd.f32 v15, v9;
	v4 =	vld [tilespmem:s31+$0x9690]  }
0x6a: {  	v8 =	vadd.f32 v16, v8;
	v3 =	vld [tilespmem:s31+$0x96A0];
	v6 =	vadd.f32 v18, v6  }
0x6b: {  	v7 =	vadd.f32 v0, v7;
	v9 =	vadd.f32 v1, v9;
	v5 =	vld [tilespmem:s31+$0x96B0]  }
0x6c: {  	v8 =	vadd.f32 v17, v8;
	v0 =	vld [tilespmem:s31+$0x96C0];
	v6 =	vadd.f32 v19, v6  }
0x6d: {  	v1 =	vld [tilespmem:s31+$0x96D0]  }
0x6e: {  	v18 =	vld [tilespmem:s31+$0x9600]  }
0x6f: {  	v20 =	vld [tilespmem:s31+$0x9610]  }
.Ltmp1:
0x70: {  	v17 =	vld [tilespmem:s31+$0x9620];
	(pc) =	sbr.rel @p0 .LBB2_5-.Ltmp1, $4  }
0x71: {  	v19 =	vld [tilespmem:s31+$0x9630]  }
0x72: {  	v14 =	vld [tilespmem:s31+$0x9640]  }
0x73: {  	v15 =	vld [tilespmem:s31+$0x9650]  }
0x74: {  	s1 =	sadd.s32 $0x400, s1;
	v16 =	vld [tilespmem:s31+$0x9660]  }
0x75: {  	v10 =	vadd.f32 v18, v10;
	v11 =	vadd.f32 v20, v11  }
0x76: {  	v18 =	vld [tilespmem:s31+$0x9670];
	v12 =	vadd.f32 v17, v12;
	v13 =	vadd.f32 v19, v13  }
0x77: {  	v17 =	vld [tilespmem:s31+$0x96E0];
	v2 =	vadd.f32 v2, v10;
	v4 =	vadd.f32 v4, v11  }
0x78: {  	v10 =	vld [tilespmem:s31+$0x96F0];
	v3 =	vadd.f32 v3, v12;
	v7 =	vadd.f32 v14, v7  }
0x79: {  	s31 =	smul.u32 $0x3, s30;
	v5 =	vadd.f32 v5, v13;
	v9 =	vadd.f32 v15, v9  }
0x7a: {  	v8 =	vadd.f32 v16, v8;
	v0 =	vadd.f32 v0, v7  }
0x7b: {  	s0 =	sadd.s32 $0x1, s31;
	v6 =	vadd.f32 v18, v6;
	v1 =	vadd.f32 v1, v9  }
0x7c: {  	s1 =	sshll.u32 s0, $0x6;
	v7 =	vadd.f32 v17, v8;
	v0 =	vadd.f32 v0, v2  }
0x7d: {  	s1 =	sand.u32 $0x3FFFFFC0, s1;
	v2 =	vadd.f32 v10, v6;
	v1 =	vadd.f32 v1, v4  }
0x7e: {  	s0 =	smul.u32 $0x320, s0;
	[tilespmem:s1+$0xFA00] =	vst v0;
	v0 =	vadd.f32 v7, v3  }
0x7f: {  	[tilespmem:s1+$0xFA10] =	vst v1;
	v1 =	vadd.f32 v2, v5  }
0x80: {  	s0 =	sshra.s32 s0, $0x2;
	[tilespmem:s1+$0xFA20] =	vst v0  }
0x81: {  	[tilespmem:s1+$0xFA30] =	vst v1;
	s1 =	sadd.s32 $0x258, s0  }
0x82: {  	[tilespmem:s13], [sflag:$0x2] =	stream.indirect.gather [hbm4b:s3+s8], $0x40, s1, s8, $0xb8;
	[tilespmem:$0x11A00] =	vst v63  }
0x83: {  	s0 =	sadd.s32 $0x2D8, s0  }
0x84: {  	[tilespmem:s15], [sflag:$0x2] =	stream.indirect.gather [hbm4b:s3+s10], $0x40, s0, s10, $0xb8;
	[tilespmem:$0x11A00] =	vst v63  }
0x85: {  	_ =	swait.ge [sflag:s22], $0x2000  }
0x86: {  	[sflag:s22] =	ssyncset.done $0x0  }
0x87: {  	[sflag:s22] =	ssyncadd.s32 $0xFFFFE000  }
0x88: {  	_ =	swait.ge [sflag:s22], $0x1200  }
0x89: {  	[sflag:s22] =	ssyncset.done $0x0  }
0x8a: {  	s1 =	simm.s32 $0x0;
	[sflag:s22] =	ssyncadd.s32 $0xFFFFEE00  }
0x8b: {  	v2 =	vld [tilespmem:s1+$0xC880]  }
0x8c: {  	v4 =	vld [tilespmem:s1+$0xC890]  }
0x8d: {  	v3 =	vld [tilespmem:s1+$0xC8A0]  }
0x8e: {  	v5 =	vld [tilespmem:s1+$0xC8B0]  }
0x8f: {  	v0 =	vld [tilespmem:s1+$0xC8C0]  }
0x90: {  	v1 =	vld [tilespmem:s1+$0xC8D0]  }
0x91: {  	v18 =	vld [tilespmem:s1+$0xC800]  }
0x92: {  	v20 =	vld [tilespmem:s1+$0xC810]  }
0x93: {  	v17 =	vld [tilespmem:s1+$0xC820]  }
0x94: {  	v19 =	vld [tilespmem:s1+$0xC830]  }
0x95: {  	v11 =	vimm.f32 $0.0e+00;
	v12 =	vimm.f32 $0.0e+00;
	v14 =	vld [tilespmem:s1+$0xC840]  }
0x96: {  	v13 =	vimm.f32 $0.0e+00;
	v9 =	vimm.f32 $0.0e+00;
	v8 =	vimm.f32 $0.0e+00;
	v15 =	vld [tilespmem:s1+$0xC850]  }
0x97: {  	v10 =	vimm.f32 $0.0e+00;
	v6 =	vimm.f32 $0.0e+00;
	v7 =	vimm.f32 $0.0e+00;
	s0 =	simm.s32 $0x400;
	v16 =	vld [tilespmem:s1+$0xC860]  }
.LBB2_7:
0x98: {  	p0 =	sne.s32 s0, $0xC400;
	v10 =	vadd.f32 v18, v10;
	v11 =	vadd.f32 v20, v11;
	v18 =	vld [tilespmem:s1+$0xC870]  }
0x99: {  	v12 =	vadd.f32 v17, v12;
	v13 =	vadd.f32 v19, v13;
	v17 =	vld [tilespmem:s1+$0xC8E0]  }
0x9a: {  	v10 =	vadd.f32 v2, v10;
	v11 =	vadd.f32 v4, v11;
	v19 =	vld [tilespmem:s1+$0xC8F0];
	s1 =	sshra.s32 s0, $0x2  }
0x9b: {  	v12 =	vadd.f32 v3, v12;
	v2 =	vld [tilespmem:s1+$0xC880];
	v13 =	vadd.f32 v5, v13  }
0x9c: {  	v6 =	vadd.f32 v14, v6;
	v8 =	vadd.f32 v15, v8;
	v4 =	vld [tilespmem:s1+$0xC890]  }
0x9d: {  	v9 =	vadd.f32 v16, v9;
	v3 =	vld [tilespmem:s1+$0xC8A0];
	v7 =	vadd.f32 v18, v7  }
0x9e: {  	v6 =	vadd.f32 v0, v6;
	v8 =	vadd.f32 v1, v8;
	v5 =	vld [tilespmem:s1+$0xC8B0]  }
0x9f: {  	v9 =	vadd.f32 v17, v9;
	v0 =	vld [tilespmem:s1+$0xC8C0];
	v7 =	vadd.f32 v19, v7  }
0xa0: {  	v1 =	vld [tilespmem:s1+$0xC8D0]  }
0xa1: {  	v18 =	vld [tilespmem:s1+$0xC800]  }
0xa2: {  	v20 =	vld [tilespmem:s1+$0xC810]  }
.Ltmp2:
0xa3: {  	v17 =	vld [tilespmem:s1+$0xC820];
	(pc) =	sbr.rel @p0 .LBB2_7-.Ltmp2, $4  }
0xa4: {  	v19 =	vld [tilespmem:s1+$0xC830]  }
0xa5: {  	v14 =	vld [tilespmem:s1+$0xC840]  }
0xa6: {  	v15 =	vld [tilespmem:s1+$0xC850]  }
0xa7: {  	s0 =	sadd.s32 $0x400, s0;
	v16 =	vld [tilespmem:s1+$0xC860]  }
0xa8: {  	v10 =	vadd.f32 v18, v10;
	v11 =	vadd.f32 v20, v11  }
0xa9: {  	v56 =	vld [tilespmem:s1+$0xC870];
	v12 =	vadd.f32 v17, v12;
	v13 =	vadd.f32 v19, v13  }
0xaa: {  	v57 =	vld [tilespmem:s1+$0xC8E0];
	v2 =	vadd.f32 v2, v10;
	v4 =	vadd.f32 v4, v11  }
0xab: {  	v58 =	vld [tilespmem:s1+$0xC8F0];
	v3 =	vadd.f32 v3, v12;
	v6 =	vadd.f32 v14, v6  }
0xac: {  	v5 =	vadd.f32 v5, v13;
	v8 =	vadd.f32 v15, v8  }
0xad: {  	v9 =	vadd.f32 v16, v9;
	v0 =	vadd.f32 v0, v6  }
0xae: {  	s0 =	sadd.s32 $0x2, s31;
	v59 =	vadd.f32 v56, v7;
	v1 =	vadd.f32 v1, v8  }
0xaf: {  	s31 =	sshll.u32 s0, $0x6;
	v60 =	vadd.f32 v57, v9;
	v0 =	vadd.f32 v0, v2  }
0xb0: {  	s1 =	sand.u32 $0x3FFFFFC0, s31;
	v61 =	vadd.f32 v58, v59;
	v1 =	vadd.f32 v1, v4  }
0xb1: {  	s30 =	sadd.s32 $0x1, s30;
	s0 =	smul.u32 $0x320, s0;
	[tilespmem:s1+$0xFA00] =	vst v0;
	v62 =	vadd.f32 v60, v3  }
0xb2: {  	p0 =	sne.s32 s30, $0x29;
	[tilespmem:s1+$0xFA10] =	vst v1;
	v63 =	vadd.f32 v61, v5  }
.Ltmp3:
0xb3: {  	s0 =	sshra.s32 s0, $0x2;
	[tilespmem:s1+$0xFA20] =	vst v62;
	(pc) =	sbr.rel @p0 .LBB2_2-.Ltmp3, $4  }
0xb4: {  	s31 =	sadd.s32 $0x258, s0;
	[tilespmem:s1+$0xFA30] =	vst v63  }
0xb5: {  	[tilespmem:s17], [sflag:$0x3] =	stream.indirect.gather [hbm4b:s3+s8], $0x40, s31, s8, $0xb8;
	[tilespmem:$0x11A00] =	vst v63  }
0xb6: {  	s0 =	sadd.s32 $0x2D8, s0  }
0xb7: {  	[tilespmem:s19], [sflag:$0x3] =	stream.indirect.gather [hbm4b:s3+s10], $0x40, s0, s10, $0xb8;
	[tilespmem:$0x11A00] =	vst v63  }
0xb8: {  	_ =	swait.ge [sflag:s20], $0x2000  }
0xb9: {  	[sflag:s20] =	ssyncset.done $0x0  }
0xba: {  	[sflag:s20] =	ssyncadd.s32 $0xFFFFE000  }
0xbb: {  	_ =	swait.ge [sflag:s20], $0x1200  }
0xbc: {  	[sflag:s20] =	ssyncset.done $0x0  }
0xbd: {  	s1 =	simm.s32 $0x0;
	[sflag:s20] =	ssyncadd.s32 $0xFFFFEE00  }
0xbe: {  	v2 =	vld [tilespmem:s1+$0x6480]  }
0xbf: {  	v4 =	vld [tilespmem:s1+$0x6490]  }
0xc0: {  	v3 =	vld [tilespmem:s1+$0x64A0]  }
0xc1: {  	v5 =	vld [tilespmem:s1+$0x64B0]  }
0xc2: {  	v0 =	vld [tilespmem:s1+$0x64C0]  }
0xc3: {  	v1 =	vld [tilespmem:s1+$0x64D0]  }
0xc4: {  	v18 =	vld [tilespmem:s1+$0x6400]  }
0xc5: {  	v20 =	vld [tilespmem:s1+$0x6410]  }
0xc6: {  	v17 =	vld [tilespmem:s1+$0x6420]  }
0xc7: {  	v19 =	vld [tilespmem:s1+$0x6430]  }
0xc8: {  	v10 =	vimm.f32 $0.0e+00;
	v11 =	vimm.f32 $0.0e+00;
	v14 =	vld [tilespmem:s1+$0x6440]  }
0xc9: {  	v12 =	vimm.f32 $0.0e+00;
	v13 =	vimm.f32 $0.0e+00;
	v6 =	vimm.f32 $0.0e+00;
	v15 =	vld [tilespmem:s1+$0x6450]  }
0xca: {  	s0 =	simm.s32 $0x400;
	v8 =	vimm.f32 $0.0e+00;
	v9 =	vimm.f32 $0.0e+00;
	v7 =	vimm.f32 $0.0e+00;
	v16 =	vld [tilespmem:s1+$0x6460]  }
.LBB2_10:
0xcb: {  	p0 =	sne.s32 s0, $0xC400;
	v10 =	vadd.f32 v18, v10;
	v11 =	vadd.f32 v20, v11;
	v18 =	vld [tilespmem:s1+$0x6470]  }
0xcc: {  	v12 =	vadd.f32 v17, v12;
	v13 =	vadd.f32 v19, v13;
	v17 =	vld [tilespmem:s1+$0x64E0]  }
0xcd: {  	v10 =	vadd.f32 v2, v10;
	v11 =	vadd.f32 v4, v11;
	v19 =	vld [tilespmem:s1+$0x64F0];
	s1 =	sshra.s32 s0, $0x2  }
0xce: {  	v12 =	vadd.f32 v3, v12;
	v2 =	vld [tilespmem:s1+$0x6480];
	v13 =	vadd.f32 v5, v13  }
0xcf: {  	v6 =	vadd.f32 v14, v6;
	v8 =	vadd.f32 v15, v8;
	v4 =	vld [tilespmem:s1+$0x6490]  }
0xd0: {  	v9 =	vadd.f32 v16, v9;
	v3 =	vld [tilespmem:s1+$0x64A0];
	v7 =	vadd.f32 v18, v7  }
0xd1: {  	v6 =	vadd.f32 v0, v6;
	v8 =	vadd.f32 v1, v8;
	v5 =	vld [tilespmem:s1+$0x64B0]  }
0xd2: {  	v9 =	vadd.f32 v17, v9;
	v0 =	vld [tilespmem:s1+$0x64C0];
	v7 =	vadd.f32 v19, v7  }
0xd3: {  	v1 =	vld [tilespmem:s1+$0x64D0]  }
0xd4: {  	v18 =	vld [tilespmem:s1+$0x6400]  }
0xd5: {  	v20 =	vld [tilespmem:s1+$0x6410]  }
.Ltmp4:
0xd6: {  	v17 =	vld [tilespmem:s1+$0x6420];
	(pc) =	sbr.rel @p0 .LBB2_10-.Ltmp4, $4  }
0xd7: {  	v19 =	vld [tilespmem:s1+$0x6430]  }
0xd8: {  	v14 =	vld [tilespmem:s1+$0x6440]  }
0xd9: {  	v15 =	vld [tilespmem:s1+$0x6450]  }
0xda: {  	s0 =	sadd.s32 $0x400, s0;
	v16 =	vld [tilespmem:s1+$0x6460]  }
0xdb: {  	v10 =	vadd.f32 v18, v10;
	v11 =	vadd.f32 v20, v11  }
0xdc: {  	v18 =	vld [tilespmem:s1+$0x6470];
	v12 =	vadd.f32 v17, v12;
	v13 =	vadd.f32 v19, v13  }
0xdd: {  	v17 =	vld [tilespmem:s1+$0x64E0];
	v2 =	vadd.f32 v2, v10;
	v4 =	vadd.f32 v4, v11  }
0xde: {  	v10 =	vld [tilespmem:s1+$0x64F0];
	v3 =	vadd.f32 v3, v12;
	v6 =	vadd.f32 v14, v6  }
0xdf: {  	v5 =	vadd.f32 v5, v13;
	v8 =	vadd.f32 v15, v8  }
0xe0: {  	v9 =	vadd.f32 v16, v9;
	v0 =	vadd.f32 v0, v6  }
0xe1: {  	v6 =	vadd.f32 v18, v7;
	v1 =	vadd.f32 v1, v8  }
0xe2: {  	v7 =	vadd.f32 v17, v9;
	v0 =	vadd.f32 v0, v2  }
0xe3: {  	v2 =	vadd.f32 v10, v6;
	v1 =	vadd.f32 v1, v4  }
0xe4: {  	[tilespmem:$0x118C0] =	vst v0;
	v0 =	vadd.f32 v7, v3  }
0xe5: {  	[tilespmem:$0x118D0] =	vst v1;
	v1 =	vadd.f32 v2, v5  }
0xe6: {  	[tilespmem:$0x118E0] =	vst v0  }
0xe7: {  	[tilespmem:$0x118F0] =	vst v1  }
0xe8: {  	[tilespmem:s9], [sflag:$0x1] =	stream.indirect.gather [hbm4b:s3+s8], $0x40, s23, s8, $0xb8;
	[tilespmem:$0x11A00] =	vst v63  }
0xe9: {  	_ = 	snop  }
0xea: {  	[tilespmem:s11], [sflag:$0x1] =	stream.indirect.gather [hbm4b:s3+s10], $0x40, s24, s10, $0xb8;
	[tilespmem:$0x11A00] =	vst v63  }
0xeb: {  	_ =	swait.ge [sflag:s21], $0x2000  }
0xec: {  	[sflag:s21] =	ssyncset.done $0x0  }
0xed: {  	[sflag:s21] =	ssyncadd.s32 $0xFFFFE000  }
0xee: {  	_ =	swait.ge [sflag:s21], $0x1200  }
0xef: {  	[sflag:s21] =	ssyncset.done $0x0  }
0xf0: {  	s1 =	simm.s32 $0x0;
	[sflag:s21] =	ssyncadd.s32 $0xFFFFEE00  }
0xf1: {  	v2 =	vld [tilespmem:s1+$0x9680]  }
0xf2: {  	v4 =	vld [tilespmem:s1+$0x9690]  }
0xf3: {  	v3 =	vld [tilespmem:s1+$0x96A0]  }
0xf4: {  	v5 =	vld [tilespmem:s1+$0x96B0]  }
0xf5: {  	v0 =	vld [tilespmem:s1+$0x96C0]  }
0xf6: {  	v1 =	vld [tilespmem:s1+$0x96D0]  }
0xf7: {  	v18 =	vld [tilespmem:s1+$0x9600]  }
0xf8: {  	v20 =	vld [tilespmem:s1+$0x9610]  }
0xf9: {  	v17 =	vld [tilespmem:s1+$0x9620]  }
0xfa: {  	v19 =	vld [tilespmem:s1+$0x9630]  }
0xfb: {  	v11 =	vimm.f32 $0.0e+00;
	v12 =	vimm.f32 $0.0e+00;
	v14 =	vld [tilespmem:s1+$0x9640]  }
0xfc: {  	v13 =	vimm.f32 $0.0e+00;
	v8 =	vimm.f32 $0.0e+00;
	v9 =	vimm.f32 $0.0e+00;
	v15 =	vld [tilespmem:s1+$0x9650]  }
0xfd: {  	s0 =	simm.s32 $0x400;
	v10 =	vimm.f32 $0.0e+00;
	v6 =	vimm.f32 $0.0e+00;
	v7 =	vimm.f32 $0.0e+00;
	v16 =	vld [tilespmem:s1+$0x9660]  }
.LBB2_12:
0xfe: {  	p0 =	sne.s32 s0, $0xC400;
	v10 =	vadd.f32 v18, v10;
	v11 =	vadd.f32 v20, v11;
	v18 =	vld [tilespmem:s1+$0x9670]  }
0xff: {  	v12 =	vadd.f32 v17, v12;
	v13 =	vadd.f32 v19, v13;
	v17 =	vld [tilespmem:s1+$0x96E0]  }
0x100: {  	v10 =	vadd.f32 v2, v10;
	v11 =	vadd.f32 v4, v11;
	v19 =	vld [tilespmem:s1+$0x96F0];
	s1 =	sshra.s32 s0, $0x2  }
0x101: {  	v12 =	vadd.f32 v3, v12;
	v2 =	vld [tilespmem:s1+$0x9680];
	v13 =	vadd.f32 v5, v13  }
0x102: {  	v6 =	vadd.f32 v14, v6;
	v8 =	vadd.f32 v15, v8;
	v4 =	vld [tilespmem:s1+$0x9690]  }
0x103: {  	v9 =	vadd.f32 v16, v9;
	v3 =	vld [tilespmem:s1+$0x96A0];
	v7 =	vadd.f32 v18, v7  }
0x104: {  	v6 =	vadd.f32 v0, v6;
	v8 =	vadd.f32 v1, v8;
	v5 =	vld [tilespmem:s1+$0x96B0]  }
0x105: {  	v9 =	vadd.f32 v17, v9;
	v0 =	vld [tilespmem:s1+$0x96C0];
	v7 =	vadd.f32 v19, v7  }
0x106: {  	v1 =	vld [tilespmem:s1+$0x96D0]  }
0x107: {  	v18 =	vld [tilespmem:s1+$0x9600]  }
0x108: {  	v20 =	vld [tilespmem:s1+$0x9610]  }
.Ltmp5:
0x109: {  	v17 =	vld [tilespmem:s1+$0x9620];
	(pc) =	sbr.rel @p0 .LBB2_12-.Ltmp5, $4  }
0x10a: {  	v19 =	vld [tilespmem:s1+$0x9630]  }
0x10b: {  	v14 =	vld [tilespmem:s1+$0x9640]  }
0x10c: {  	v15 =	vld [tilespmem:s1+$0x9650]  }
0x10d: {  	s0 =	sadd.s32 $0x400, s0;
	v16 =	vld [tilespmem:s1+$0x9660]  }
0x10e: {  	v10 =	vadd.f32 v18, v10;
	v11 =	vadd.f32 v20, v11  }
0x10f: {  	v18 =	vld [tilespmem:s1+$0x9670];
	v12 =	vadd.f32 v17, v12;
	v13 =	vadd.f32 v19, v13  }
0x110: {  	v17 =	vld [tilespmem:s1+$0x96E0];
	v2 =	vadd.f32 v2, v10;
	v4 =	vadd.f32 v4, v11  }
0x111: {  	v10 =	vld [tilespmem:s1+$0x96F0];
	v3 =	vadd.f32 v3, v12;
	v6 =	vadd.f32 v14, v6  }
0x112: {  	v5 =	vadd.f32 v5, v13;
	v8 =	vadd.f32 v15, v8  }
0x113: {  	v9 =	vadd.f32 v16, v9;
	v0 =	vadd.f32 v0, v6  }
0x114: {  	v6 =	vadd.f32 v18, v7;
	v1 =	vadd.f32 v1, v8  }
0x115: {  	v7 =	vadd.f32 v17, v9;
	v0 =	vadd.f32 v0, v2  }
0x116: {  	v2 =	vadd.f32 v10, v6;
	v1 =	vadd.f32 v1, v4  }
0x117: {  	[tilespmem:$0x11900] =	vst v0;
	v0 =	vadd.f32 v7, v3  }
0x118: {  	[tilespmem:$0x11910] =	vst v1;
	v1 =	vadd.f32 v2, v5  }
0x119: {  	[tilespmem:$0x11920] =	vst v0  }
0x11a: {  	[tilespmem:$0x11930] =	vst v1  }
0x11b: {  	[tilespmem:s13], [sflag:$0x2] =	stream.indirect.gather [hbm4b:s3+s8], $0x40, s25, s8, $0xb8;
	[tilespmem:$0x11A00] =	vst v63  }
0x11c: {  	_ = 	snop  }
0x11d: {  	[tilespmem:s15], [sflag:$0x2] =	stream.indirect.gather [hbm4b:s3+s10], $0x40, s26, s10, $0xb8;
	[tilespmem:$0x11A00] =	vst v63  }
0x11e: {  	_ =	swait.ge [sflag:s22], $0x2000  }
0x11f: {  	[sflag:s22] =	ssyncset.done $0x0  }
0x120: {  	[sflag:s22] =	ssyncadd.s32 $0xFFFFE000  }
0x121: {  	_ =	swait.ge [sflag:s22], $0x1200  }
0x122: {  	[sflag:s22] =	ssyncset.done $0x0  }
0x123: {  	s1 =	simm.s32 $0x0;
	[sflag:s22] =	ssyncadd.s32 $0xFFFFEE00  }
0x124: {  	v2 =	vld [tilespmem:s1+$0xC880]  }
0x125: {  	v4 =	vld [tilespmem:s1+$0xC890]  }
0x126: {  	v3 =	vld [tilespmem:s1+$0xC8A0]  }
0x127: {  	v5 =	vld [tilespmem:s1+$0xC8B0]  }
0x128: {  	v0 =	vld [tilespmem:s1+$0xC8C0]  }
0x129: {  	v1 =	vld [tilespmem:s1+$0xC8D0]  }
0x12a: {  	v18 =	vld [tilespmem:s1+$0xC800]  }
0x12b: {  	v20 =	vld [tilespmem:s1+$0xC810]  }
0x12c: {  	v17 =	vld [tilespmem:s1+$0xC820]  }
0x12d: {  	v19 =	vld [tilespmem:s1+$0xC830]  }
0x12e: {  	v11 =	vimm.f32 $0.0e+00;
	v12 =	vimm.f32 $0.0e+00;
	v14 =	vld [tilespmem:s1+$0xC840]  }
0x12f: {  	v13 =	vimm.f32 $0.0e+00;
	v8 =	vimm.f32 $0.0e+00;
	v9 =	vimm.f32 $0.0e+00;
	v15 =	vld [tilespmem:s1+$0xC850]  }
0x130: {  	s0 =	simm.s32 $0x400;
	v10 =	vimm.f32 $0.0e+00;
	v6 =	vimm.f32 $0.0e+00;
	v7 =	vimm.f32 $0.0e+00;
	v16 =	vld [tilespmem:s1+$0xC860]  }
.LBB2_14:
0x131: {  	p0 =	sne.s32 s0, $0xC400;
	v10 =	vadd.f32 v18, v10;
	v11 =	vadd.f32 v20, v11;
	v18 =	vld [tilespmem:s1+$0xC870]  }
0x132: {  	v12 =	vadd.f32 v17, v12;
	v13 =	vadd.f32 v19, v13;
	v17 =	vld [tilespmem:s1+$0xC8E0]  }
0x133: {  	v10 =	vadd.f32 v2, v10;
	v11 =	vadd.f32 v4, v11;
	v19 =	vld [tilespmem:s1+$0xC8F0];
	s1 =	sshra.s32 s0, $0x2  }
0x134: {  	v12 =	vadd.f32 v3, v12;
	v2 =	vld [tilespmem:s1+$0xC880];
	v13 =	vadd.f32 v5, v13  }
0x135: {  	v6 =	vadd.f32 v14, v6;
	v8 =	vadd.f32 v15, v8;
	v4 =	vld [tilespmem:s1+$0xC890]  }
0x136: {  	v9 =	vadd.f32 v16, v9;
	v3 =	vld [tilespmem:s1+$0xC8A0];
	v7 =	vadd.f32 v18, v7  }
0x137: {  	v6 =	vadd.f32 v0, v6;
	v8 =	vadd.f32 v1, v8;
	v5 =	vld [tilespmem:s1+$0xC8B0]  }
0x138: {  	v9 =	vadd.f32 v17, v9;
	v0 =	vld [tilespmem:s1+$0xC8C0];
	v7 =	vadd.f32 v19, v7  }
0x139: {  	v1 =	vld [tilespmem:s1+$0xC8D0]  }
0x13a: {  	v18 =	vld [tilespmem:s1+$0xC800]  }
0x13b: {  	v20 =	vld [tilespmem:s1+$0xC810]  }
.Ltmp6:
0x13c: {  	v17 =	vld [tilespmem:s1+$0xC820];
	(pc) =	sbr.rel @p0 .LBB2_14-.Ltmp6, $4  }
0x13d: {  	v19 =	vld [tilespmem:s1+$0xC830]  }
0x13e: {  	v14 =	vld [tilespmem:s1+$0xC840]  }
0x13f: {  	v15 =	vld [tilespmem:s1+$0xC850]  }
0x140: {  	s0 =	sadd.s32 $0x400, s0;
	v16 =	vld [tilespmem:s1+$0xC860]  }
0x141: {  	v10 =	vadd.f32 v18, v10;
	v11 =	vadd.f32 v20, v11  }
0x142: {  	v18 =	vld [tilespmem:s1+$0xC870];
	v12 =	vadd.f32 v17, v12;
	v13 =	vadd.f32 v19, v13  }
0x143: {  	v17 =	vld [tilespmem:s1+$0xC8E0];
	v2 =	vadd.f32 v2, v10;
	v4 =	vadd.f32 v4, v11  }
0x144: {  	v10 =	vld [tilespmem:s1+$0xC8F0];
	v3 =	vadd.f32 v3, v12;
	v6 =	vadd.f32 v14, v6  }
0x145: {  	v5 =	vadd.f32 v5, v13;
	v8 =	vadd.f32 v15, v8  }
0x146: {  	v9 =	vadd.f32 v16, v9;
	v0 =	vadd.f32 v0, v6  }
0x147: {  	v6 =	vadd.f32 v18, v7;
	v1 =	vadd.f32 v1, v8  }
0x148: {  	v7 =	vadd.f32 v17, v9;
	v0 =	vadd.f32 v0, v2  }
0x149: {  	v2 =	vadd.f32 v10, v6;
	v1 =	vadd.f32 v1, v4  }
0x14a: {  	[tilespmem:$0x11940] =	vst v0;
	v0 =	vadd.f32 v7, v3  }
0x14b: {  	[tilespmem:$0x11950] =	vst v1;
	v1 =	vadd.f32 v2, v5  }
0x14c: {  	[tilespmem:$0x11960] =	vst v0  }
0x14d: {  	[tilespmem:$0x11970] =	vst v1  }
0x14e: {  	_ =	swait.ge [sflag:s20], $0x2000  }
0x14f: {  	[sflag:s20] =	ssyncset.done $0x0  }
0x150: {  	[sflag:s20] =	ssyncadd.s32 $0xFFFFE000  }
0x151: {  	_ =	swait.ge [sflag:s20], $0x1200  }
0x152: {  	[sflag:s20] =	ssyncset.done $0x0  }
0x153: {  	s1 =	simm.s32 $0x0;
	[sflag:s20] =	ssyncadd.s32 $0xFFFFEE00  }
0x154: {  	v2 =	vld [tilespmem:s1+$0x6480]  }
0x155: {  	v4 =	vld [tilespmem:s1+$0x6490]  }
0x156: {  	v3 =	vld [tilespmem:s1+$0x64A0]  }
0x157: {  	v5 =	vld [tilespmem:s1+$0x64B0]  }
0x158: {  	v0 =	vld [tilespmem:s1+$0x64C0]  }
0x159: {  	v1 =	vld [tilespmem:s1+$0x64D0]  }
0x15a: {  	v18 =	vld [tilespmem:s1+$0x6400]  }
0x15b: {  	v20 =	vld [tilespmem:s1+$0x6410]  }
0x15c: {  	v17 =	vld [tilespmem:s1+$0x6420]  }
0x15d: {  	v19 =	vld [tilespmem:s1+$0x6430]  }
0x15e: {  	v11 =	vimm.f32 $0.0e+00;
	v12 =	vimm.f32 $0.0e+00;
	v14 =	vld [tilespmem:s1+$0x6440]  }
0x15f: {  	v13 =	vimm.f32 $0.0e+00;
	v8 =	vimm.f32 $0.0e+00;
	v9 =	vimm.f32 $0.0e+00;
	v15 =	vld [tilespmem:s1+$0x6450]  }
0x160: {  	s0 =	simm.s32 $0x400;
	v10 =	vimm.f32 $0.0e+00;
	v6 =	vimm.f32 $0.0e+00;
	v7 =	vimm.f32 $0.0e+00;
	v16 =	vld [tilespmem:s1+$0x6460]  }
.LBB2_16:
0x161: {  	p0 =	sne.s32 s0, $0xC400;
	v10 =	vadd.f32 v18, v10;
	v11 =	vadd.f32 v20, v11;
	v18 =	vld [tilespmem:s1+$0x6470]  }
0x162: {  	v12 =	vadd.f32 v17, v12;
	v13 =	vadd.f32 v19, v13;
	v17 =	vld [tilespmem:s1+$0x64E0]  }
0x163: {  	v10 =	vadd.f32 v2, v10;
	v11 =	vadd.f32 v4, v11;
	v19 =	vld [tilespmem:s1+$0x64F0];
	s1 =	sshra.s32 s0, $0x2  }
0x164: {  	v12 =	vadd.f32 v3, v12;
	v2 =	vld [tilespmem:s1+$0x6480];
	v13 =	vadd.f32 v5, v13  }
0x165: {  	v6 =	vadd.f32 v14, v6;
	v8 =	vadd.f32 v15, v8;
	v4 =	vld [tilespmem:s1+$0x6490]  }
0x166: {  	v9 =	vadd.f32 v16, v9;
	v3 =	vld [tilespmem:s1+$0x64A0];
	v7 =	vadd.f32 v18, v7  }
0x167: {  	v6 =	vadd.f32 v0, v6;
	v8 =	vadd.f32 v1, v8;
	v5 =	vld [tilespmem:s1+$0x64B0]  }
0x168: {  	v9 =	vadd.f32 v17, v9;
	v0 =	vld [tilespmem:s1+$0x64C0];
	v7 =	vadd.f32 v19, v7  }
0x169: {  	v1 =	vld [tilespmem:s1+$0x64D0]  }
0x16a: {  	v18 =	vld [tilespmem:s1+$0x6400]  }
0x16b: {  	v20 =	vld [tilespmem:s1+$0x6410]  }
.Ltmp7:
0x16c: {  	v17 =	vld [tilespmem:s1+$0x6420];
	(pc) =	sbr.rel @p0 .LBB2_16-.Ltmp7, $4  }
0x16d: {  	v19 =	vld [tilespmem:s1+$0x6430]  }
0x16e: {  	v14 =	vld [tilespmem:s1+$0x6440]  }
0x16f: {  	v15 =	vld [tilespmem:s1+$0x6450]  }
0x170: {  	s0 =	sadd.s32 $0x400, s0;
	v16 =	vld [tilespmem:s1+$0x6460]  }
0x171: {  	v10 =	vadd.f32 v18, v10;
	v11 =	vadd.f32 v20, v11  }
0x172: {  	v18 =	vld [tilespmem:s1+$0x6470];
	v12 =	vadd.f32 v17, v12;
	v13 =	vadd.f32 v19, v13  }
0x173: {  	v17 =	vld [tilespmem:s1+$0x64E0];
	v2 =	vadd.f32 v2, v10;
	v4 =	vadd.f32 v4, v11  }
0x174: {  	v10 =	vld [tilespmem:s1+$0x64F0];
	v3 =	vadd.f32 v3, v12;
	v6 =	vadd.f32 v14, v6  }
0x175: {  	v5 =	vadd.f32 v5, v13;
	v8 =	vadd.f32 v15, v8  }
0x176: {  	v9 =	vadd.f32 v16, v9;
	v0 =	vadd.f32 v0, v6  }
0x177: {  	v6 =	vadd.f32 v18, v7;
	v1 =	vadd.f32 v1, v8  }
0x178: {  	v7 =	vadd.f32 v17, v9;
	v0 =	vadd.f32 v0, v2  }
0x179: {  	v2 =	vadd.f32 v10, v6;
	v1 =	vadd.f32 v1, v4  }
0x17a: {  	[tilespmem:$0x11980] =	vst v0;
	v0 =	vadd.f32 v7, v3  }
0x17b: {  	[tilespmem:$0x11990] =	vst v1;
	v1 =	vadd.f32 v2, v5  }
0x17c: {  	[tilespmem:$0x119A0] =	vst v0  }
0x17d: {  	[tilespmem:$0x119B0] =	vst v1  }
0x17e: {  	_ =	swait.ge [sflag:s21], $0x2000  }
0x17f: {  	[sflag:s21] =	ssyncset.done $0x0  }
0x180: {  	[sflag:s21] =	ssyncadd.s32 $0xFFFFE000  }
0x181: {  	_ =	swait.ge [sflag:s21], $0x1200  }
0x182: {  	[sflag:s21] =	ssyncset.done $0x0  }
0x183: {  	s1 =	simm.s32 $0x0;
	[sflag:s21] =	ssyncadd.s32 $0xFFFFEE00  }
0x184: {  	v2 =	vld [tilespmem:s1+$0x9680]  }
0x185: {  	v4 =	vld [tilespmem:s1+$0x9690]  }
0x186: {  	v3 =	vld [tilespmem:s1+$0x96A0]  }
0x187: {  	v5 =	vld [tilespmem:s1+$0x96B0]  }
0x188: {  	v0 =	vld [tilespmem:s1+$0x96C0]  }
0x189: {  	v1 =	vld [tilespmem:s1+$0x96D0]  }
0x18a: {  	v18 =	vld [tilespmem:s1+$0x9600]  }
0x18b: {  	v20 =	vld [tilespmem:s1+$0x9610]  }
0x18c: {  	v17 =	vld [tilespmem:s1+$0x9620]  }
0x18d: {  	v19 =	vld [tilespmem:s1+$0x9630]  }
0x18e: {  	v11 =	vimm.f32 $0.0e+00;
	v12 =	vimm.f32 $0.0e+00;
	v14 =	vld [tilespmem:s1+$0x9640]  }
0x18f: {  	v13 =	vimm.f32 $0.0e+00;
	v8 =	vimm.f32 $0.0e+00;
	v9 =	vimm.f32 $0.0e+00;
	v15 =	vld [tilespmem:s1+$0x9650]  }
0x190: {  	s0 =	simm.s32 $0x400;
	v10 =	vimm.f32 $0.0e+00;
	v6 =	vimm.f32 $0.0e+00;
	v7 =	vimm.f32 $0.0e+00;
	v16 =	vld [tilespmem:s1+$0x9660]  }
.LBB2_18:
0x191: {  	p0 =	sne.s32 s0, $0xC400;
	v10 =	vadd.f32 v18, v10;
	v11 =	vadd.f32 v20, v11;
	v18 =	vld [tilespmem:s1+$0x9670]  }
0x192: {  	v12 =	vadd.f32 v17, v12;
	v13 =	vadd.f32 v19, v13;
	v17 =	vld [tilespmem:s1+$0x96E0]  }
0x193: {  	v10 =	vadd.f32 v2, v10;
	v11 =	vadd.f32 v4, v11;
	v19 =	vld [tilespmem:s1+$0x96F0];
	s1 =	sshra.s32 s0, $0x2  }
0x194: {  	v12 =	vadd.f32 v3, v12;
	v2 =	vld [tilespmem:s1+$0x9680];
	v13 =	vadd.f32 v5, v13  }
0x195: {  	v6 =	vadd.f32 v14, v6;
	v8 =	vadd.f32 v15, v8;
	v4 =	vld [tilespmem:s1+$0x9690]  }
0x196: {  	v9 =	vadd.f32 v16, v9;
	v3 =	vld [tilespmem:s1+$0x96A0];
	v7 =	vadd.f32 v18, v7  }
0x197: {  	v6 =	vadd.f32 v0, v6;
	v8 =	vadd.f32 v1, v8;
	v5 =	vld [tilespmem:s1+$0x96B0]  }
0x198: {  	v9 =	vadd.f32 v17, v9;
	v0 =	vld [tilespmem:s1+$0x96C0];
	v7 =	vadd.f32 v19, v7  }
0x199: {  	v1 =	vld [tilespmem:s1+$0x96D0]  }
0x19a: {  	v18 =	vld [tilespmem:s1+$0x9600]  }
0x19b: {  	v20 =	vld [tilespmem:s1+$0x9610]  }
.Ltmp8:
0x19c: {  	v17 =	vld [tilespmem:s1+$0x9620];
	(pc) =	sbr.rel @p0 .LBB2_18-.Ltmp8, $4  }
0x19d: {  	v19 =	vld [tilespmem:s1+$0x9630]  }
0x19e: {  	v14 =	vld [tilespmem:s1+$0x9640]  }
0x19f: {  	v15 =	vld [tilespmem:s1+$0x9650]  }
0x1a0: {  	s0 =	sadd.s32 $0x400, s0;
	v16 =	vld [tilespmem:s1+$0x9660]  }
0x1a1: {  	v10 =	vadd.f32 v18, v10;
	v11 =	vadd.f32 v20, v11  }
0x1a2: {  	v56 =	vld [tilespmem:s1+$0x9670];
	v12 =	vadd.f32 v17, v12;
	v13 =	vadd.f32 v19, v13  }
0x1a3: {  	v57 =	vld [tilespmem:s1+$0x96E0];
	v2 =	vadd.f32 v2, v10;
	v4 =	vadd.f32 v4, v11  }
0x1a4: {  	v58 =	vld [tilespmem:s1+$0x96F0];
	v3 =	vadd.f32 v3, v12;
	v6 =	vadd.f32 v14, v6  }
0x1a5: {  	v5 =	vadd.f32 v5, v13;
	v8 =	vadd.f32 v15, v8  }
0x1a6: {  	v9 =	vadd.f32 v16, v9;
	v0 =	vadd.f32 v0, v6  }
0x1a7: {  	v59 =	vadd.f32 v56, v7;
	v1 =	vadd.f32 v1, v8  }
0x1a8: {  	v60 =	vadd.f32 v57, v9;
	v0 =	vadd.f32 v0, v2  }
0x1a9: {  	v61 =	vadd.f32 v58, v59;
	v1 =	vadd.f32 v1, v4  }
0x1aa: {  	[tilespmem:$0x119C0] =	vst v0;
	v62 =	vadd.f32 v60, v3  }
0x1ab: {  	s29 =	sadd.s32 $0x1, s29;
	[tilespmem:$0x119D0] =	vst v1;
	v63 =	vadd.f32 v61, v5  }
0x1ac: {  	p0 =	sne.s32 s29, s6;
	[tilespmem:$0x119E0] =	vst v62  }
.Ltmp9:
0x1ad: {  	[tilespmem:$0x119F0] =	vst v63;
	(pc) =	sbr.rel @p0 .LBB2_1-.Ltmp9, $4  }
0x1ae: {  	[hbm4b:s5+s2] =	stream.linear.scatter [tilespmem:s28], [sflag:$0x4], $0x2000, $0x38;
	[tilespmem:$0x11A00] =	vst v63  }
0x1af: {  	_ =	swait.ge [sflag:s7], $0x2000  }
0x1b0: {  	[sflag:s7] =	ssyncset.done $0x0  }
0x1b1: {  	[sflag:s7] =	ssyncadd.s32 $0xFFFFE000  }
0x1b2: {  	_ =	sfence.sel $0x180000  }
0x1b3: {  	[bflag:$0x0] =	sbarrier.arrive $0xFFFF  }
0x1b4: {  	_ =	strace $0x90000047  }
0x1b5: {  	s0 =	stileid.u32;
	[bflag:$0x2] =	sbarrier.arrive $0xFFFF  }
0x1b6: {  	p0 =	sne.s32 s0, $0x0;
	s0 =	rddreg [dreg:$0x1]  }
0x1b7: {  	s0 =	sadd.s32 @!p0 $0x100000, s0  }
0x1b8: {  	[sflag:s0] =	ssyncadd.tile.s32 @!p0 $0x1;
	_ =	shalt  }
.Lfunc_end2:
_tile_overlayer_lowered:
.L_overlay_start_2:
0x1b9: {  	(tag) =	ssettag $0x2  }
0x1ba: {  	s0 =	rddreg [dreg:$0x0];
	s2 =	stileid.u32  }
0x1bb: {  	s1 =	rddreg [dreg:$0x1];
	p0 =	sne.s32 s2, $0x0  }
0x1bc: {  	s3 =	rddreg [dreg:$0x2];
	[bflag:$0x3] =	sbarrier.arrive $0xFFFF;
	s2 =	simm.s32 @!p0 $0x1C04  }
0x1bd: {  	[timem:s3], [sflag:s2] =	dma.local @!p0 [hbm:s0], s1  }
0x1be: {  	s0 =	simm.s32 @!p0 $0x4  }
0x1bf: {  	_ =	swait.ge @!p0 [sflag:s0], s1  }
0x1c0: {  	s1 =	ssub.s32 @!p0 $0x0, s1;
	[sflag:s0] =	ssyncset.done @!p0 $0x0  }
0x1c1: {  	[sflag:s0] =	ssyncadd.s32 @!p0 s1  }
0x1c2: {  	[bflag:$0x3] =	sbarrier.arrive $0xFFFF  }
0x1c3: {  	_ =	shalt  }

</sc_bundles>
